<compile_context>
chip_gen: v7x
topology: tpu7x:2x2x1
jax: 0.10.2.dev20260603
libtpu: 0.0.44.dev20260713+nightly
codegen_flags: <defaults>
</compile_context>

<pallas_src>
import jax
import jax.numpy as jnp
from jax import lax
from jax.experimental import pallas as pl
from jax.experimental.pallas import tpu as pltpu
from jax.experimental.pallas import tpu_sc as plsc

N_NODES_C = 10000
N_EDGES_C = 320000
EMB = 128
MAXD = 256
NC = 2
NS = 16
L = 16

EPW = N_EDGES_C // NS
DPAD = ((N_NODES_C + NS * L - 1) // (NS * L)) * (NS * L)
DSL = DPAD // NS


def _sc_degrees_body(edge_hbm, nn_hbm, dudv_hbm,
                     edges_v, hist_v, stage_v, degsl_v, deg_v, out_v, nn_v,
                     sem_e, sem_n, shared_hist, shared_deg):
    c = lax.axis_index("c")
    s = lax.axis_index("s")
    base = c * N_EDGES_C + s * EPW

    cp_e = pltpu.async_copy(edge_hbm.at[pl.ds(base, EPW)], edges_v, sem_e)
    cp_n = pltpu.async_copy(nn_hbm, nn_v, sem_n)

    zeros = jnp.zeros((L,), jnp.int32)

    @plsc.parallel_loop(0, DPAD // L, unroll=8)
    def _zero(i):
        hist_v[pl.ds(i * L, L)] = zeros

    cp_e.wait()
    cp_n.wait()

    ones = jnp.ones((L,), jnp.int32)

    def _hist(j, carry):
        for u in range(10):
            idx = edges_v[pl.ds((j * 10 + u) * L, L)]
            plsc.addupdate_scatter(hist_v, [idx], ones)
        return carry

    lax.fori_loop(0, EPW // (L * 10), _hist, 0)

    pltpu.sync_copy(hist_v, shared_hist.at[s])
    plsc.subcore_barrier()
    pltpu.sync_copy(shared_hist.at[:, pl.ds(s * DSL, DSL)], stage_v)

    nn = nn_v[...]

    def _reduce(k, carry):
        acc = jnp.zeros((L,), jnp.int32)
        for j in range(NS):
            acc = acc + stage_v[j, pl.ds(k * L, L)]
        gidx = lax.iota(jnp.int32, L) + (s * DSL + k * L)
        acc = jnp.where(gidx < nn, acc, 0)
        acc = jnp.minimum(acc, MAXD - 1)
        degsl_v[pl.ds(k * L, L)] = acc
        return carry

    lax.fori_loop(0, DSL // L, _reduce, 0)

    pltpu.sync_copy(degsl_v, shared_deg.at[pl.ds(s * DSL, DSL)])
    plsc.subcore_barrier()
    pltpu.sync_copy(shared_deg, deg_v)

    @plsc.parallel_loop(0, EPW // L, unroll=10)
    def _gather(i):
        idx = edges_v[pl.ds(i * L, L)]
        out_v[pl.ds(i * L, L)] = plsc.load_gather(deg_v, [idx])

    pltpu.sync_copy(out_v, dudv_hbm.at[pl.ds(base, EPW)])


def _sc_degrees(edge_index, nn_arr):
    mesh = plsc.VectorSubcoreMesh(core_axis_name="c", subcore_axis_name="s",
                                  num_cores=NC, num_subcores=NS)
    return pl.kernel(
        _sc_degrees_body,
        out_type=jax.ShapeDtypeStruct((2 * N_EDGES_C,), jnp.int32),
        mesh=mesh,
        compiler_params=pltpu.CompilerParams(needs_layout_passes=False),
        scratch_types=[
            pltpu.VMEM((EPW,), jnp.int32),
            pltpu.VMEM((DPAD,), jnp.int32),
            pltpu.VMEM((NS, DSL), jnp.int32),
            pltpu.VMEM((DSL,), jnp.int32),
            pltpu.VMEM((DPAD,), jnp.int32),
            pltpu.VMEM((EPW,), jnp.int32),
            pltpu.VMEM((L,), jnp.int32),
            pltpu.SemaphoreType.DMA,
            pltpu.SemaphoreType.DMA,
            pltpu.VMEM_SHARED((NS, DPAD), jnp.int32),
            pltpu.VMEM_SHARED((DPAD,), jnp.int32),
        ],
    )(edge_index, nn_arr)


BLK = 12800
NB = N_EDGES_C // BLK


def _dot_t(lhs_t, rhs):
    return lax.dot_general(lhs_t, rhs, (((0,), (0,)), ((), ())),
                           preferred_element_type=jnp.float32)


def _tc_body(dudv_ref, cols_ref, attr_t_ref, tab_ref, w_ref, o_ref):
    i = pl.program_id(0)
    du = dudv_ref[pl.ds(i * BLK, BLK)].astype(jnp.bfloat16)[:, None]
    dv = dudv_ref[pl.ds(N_EDGES_C + i * BLK, BLK)].astype(jnp.bfloat16)[:, None]
    cols = cols_ref[...]
    one = jnp.bfloat16(1.0)
    zero = jnp.bfloat16(0.0)
    oh_u = jnp.maximum(one - jnp.abs(cols - du), zero)
    oh_v = jnp.maximum(one - jnp.abs(cols - dv), zero)
    oh = jnp.concatenate([oh_u, oh_v], axis=1).astype(jnp.float8_e4m3fn)
    cent = jnp.dot(oh, tab_ref[...], preferred_element_type=jnp.float32)
    attr_aug = jnp.concatenate(
        [attr_t_ref[...].astype(jnp.bfloat16),
         jnp.full((1, BLK), one, jnp.bfloat16)], axis=0)
    base_b = _dot_t(attr_aug, w_ref[...])
    o_ref[...] = cent + base_b


def _tc_combine(dudv, cols_mat, attr_t, tab, w_aug):
    return pl.pallas_call(
        _tc_body,
        grid=(NB,),
        in_specs=[
            pl.BlockSpec((2 * N_EDGES_C,), lambda i: (0,)),
            pl.BlockSpec((1, MAXD), lambda i: (0, 0)),
            pl.BlockSpec((16, BLK), lambda i: (0, i)),
            pl.BlockSpec((2 * MAXD, EMB), lambda i: (0, 0)),
            pl.BlockSpec((17, EMB), lambda i: (0, 0)),
        ],
        out_specs=pl.BlockSpec((BLK, EMB), lambda i: (i, 0)),
        out_shape=jax.ShapeDtypeStruct((N_EDGES_C, EMB), jnp.float32),
    )(dudv, cols_mat, attr_t, tab, w_aug)


def kernel(edge_index, edge_attr, num_nodes, out_emb, in_emb, W, b):
    nn_arr = jnp.full((L,), num_nodes, jnp.int32)
    dudv = _sc_degrees(edge_index.reshape(-1), nn_arr)
    tab = jnp.concatenate([out_emb, in_emb], axis=0).astype(jnp.float8_e4m3fn)
    w_aug = jnp.concatenate([W, b.reshape(1, EMB)], axis=0).astype(jnp.bfloat16)
    cols_mat = jnp.arange(MAXD, dtype=jnp.float32).astype(jnp.bfloat16)[None, :]
    return _tc_combine(dudv, cols_mat, edge_attr.T, tab, w_aug)

# --- scband reference (transcript-rebuilt; emitter-appended) ---
"""Pipeline reference for scband-edge-centrality-encoder-76089640616209 (READ-ONLY COPY).

The authoritative reference and input builder live on the scoring server;
editing this copy changes nothing except your own understanding.
"""

import jax, jax.numpy as jnp
import numpy as np

N_NODES = 10000
N_EDGES = 320000
EMB_DIM = 128
MAX_DEG = 256
EDGE_IN_DIM = 16


def setup_inputs(seed: int = 0) -> dict:
    key = jax.random.key(seed)
    k1, k2, k3, k4, k5, k6 = jax.random.split(key, 6)
    edge_index = jax.random.randint(k1, (2, N_EDGES), 0, N_NODES, dtype=jnp.int32)
    edge_attr = jax.random.normal(k2, (N_EDGES, EDGE_IN_DIM), dtype=jnp.float32)
    out_emb = jax.random.normal(k3, (MAX_DEG, EMB_DIM), dtype=jnp.float32) * 0.02
    in_emb = jax.random.normal(k4, (MAX_DEG, EMB_DIM), dtype=jnp.float32) * 0.02
    W = jax.random.normal(k5, (EDGE_IN_DIM, EMB_DIM), dtype=jnp.float32) * (1.0 / np.sqrt(EDGE_IN_DIM))
    b = jax.random.normal(k6, (EMB_DIM,), dtype=jnp.float32) * 0.01
    return {
        "edge_index": edge_index,
        "edge_attr": edge_attr,
        "num_nodes": N_NODES,
        "out_emb": out_emb,
        "in_emb": in_emb,
        "W": W,
        "b": b,
    }


def reference(edge_index, edge_attr, num_nodes, out_emb, in_emb, W, b):
    src = edge_index[0]
    dst = edge_index[1]
    # node degrees via bincount (no_grad in original -> pure int computation)
    valid = jnp.arange(N_NODES) < num_nodes
    deg_out = jnp.bincount(src, length=N_NODES) * valid
    deg_in = jnp.bincount(dst, length=N_NODES) * valid
    deg_out = jnp.minimum(deg_out, MAX_DEG - 1)
    deg_in = jnp.minimum(deg_in, MAX_DEG - 1)
    # gather per-edge degrees
    du = jnp.take(deg_out, src, axis=0)
    dv = jnp.take(deg_in, dst, axis=0)
    # embedding lookups
    centrality = jnp.take(out_emb, du, axis=0) + jnp.take(in_emb, dv, axis=0)
    # raw edge-attr projection
    base = edge_attr @ W + b
    new_edge_attr = base + centrality
    return new_edge_attr

if __name__ == "__main__":
    import jax
    _d = setup_inputs()
    print(jax.jit(kernel)(*tuple(_d.values())))

</pallas_src>

<mosaic_0001>
#map = affine_map<(d0, d1) -> (0)>
module attributes {stable_mosaic.version = 14 : i64} {
  func.func @_sc_degrees_body(%arg0: i32, %arg1: i32, %arg2: memref<640000xi32, #tpu.memory_space<hbm>>, %arg3: memref<16xi32, #tpu.memory_space<hbm>>, %arg4: memref<640000xi32, #tpu.memory_space<hbm>>, %arg5: memref<20000xi32, #tpu.memory_space<vmem>>, %arg6: memref<10240xi32, #tpu.memory_space<vmem>>, %arg7: memref<16x640xi32, #tpu.memory_space<vmem>>, %arg8: memref<640xi32, #tpu.memory_space<vmem>>, %arg9: memref<10240xi32, #tpu.memory_space<vmem>>, %arg10: memref<20000xi32, #tpu.memory_space<vmem>>, %arg11: memref<16xi32, #tpu.memory_space<vmem>>, %arg12: memref<!tpu.dma_semaphore, #tpu.memory_space<semaphore_mem>>, %arg13: memref<!tpu.dma_semaphore, #tpu.memory_space<semaphore_mem>>, %arg14: memref<16x10240xi32, #tpu.memory_space<vmem_shared>>, %arg15: memref<10240xi32, #tpu.memory_space<vmem_shared>>) attributes {dimension_semantics = [#tpu.dimension_semantics<core_parallel>, #tpu.dimension_semantics<subcore_parallel>], iteration_bounds = array<i64: 2, 16>, scalar_prefetch = 0 : i64, scratch_operands = 11 : i64, tpu.core_type = #tpu.core_type<sc_vector_subcore>, window_params = [{transform_indices = #map}, {transform_indices = #map}, {transform_indices = #map}]} {
    %mul3A = arith.constant 320000 : i32
    %mul3A_0 = arith.muli %arg0, %mul3A : i32
    %mul3A_1 = arith.constant 20000 : i32
    %mul3A_2 = arith.muli %arg1, %mul3A_1 : i32
    %add3A = arith.addi %mul3A_0, %mul3A_2 : i32
    %dma_start3A = tpu.memref_slice %arg2[%add3A] : memref<640000xi32, #tpu.memory_space<hbm>> -> memref<20000xi32, #tpu.memory_space<hbm>>
    %dma_start3A_3 = tpu.memref_slice %arg2[%add3A] : memref<640000xi32, #tpu.memory_space<hbm>> -> memref<20000xi32, #tpu.memory_space<hbm>>
    tpu.enqueue_dma source(%dma_start3A_3 : memref<20000xi32, #tpu.memory_space<hbm>>) target(%arg5 : memref<20000xi32, #tpu.memory_space<vmem>>) target_semaphore(%arg12 : memref<!tpu.dma_semaphore, #tpu.memory_space<semaphore_mem>>)
    tpu.enqueue_dma source(%arg3 : memref<16xi32, #tpu.memory_space<hbm>>) target(%arg11 : memref<16xi32, #tpu.memory_space<vmem>>) target_semaphore(%arg13 : memref<!tpu.dma_semaphore, #tpu.memory_space<semaphore_mem>>)
    %broadcast_in_dim3A = arith.constant 0 : i32
    %broadcast_in_dim3A_4 = vector.broadcast %broadcast_in_dim3A : i32 to vector<16xi32>
    %parallel_loop3A = arith.constant 0 : i32
    %parallel_loop3A_5 = arith.constant 640 : i32
    %parallel_loop3A_6 = arith.constant 1 : i32
    scf.for %parallel_loop3A_30 = %parallel_loop3A to %parallel_loop3A_5 step %parallel_loop3A_6  : i32 {
      %parallel_loop3A_31 = arith.constant 16 : i32
      %parallel_loop3A_32 = arith.muli %parallel_loop3A_30, %parallel_loop3A_31 : i32
      %parallel_loop3A_33 = arith.index_cast %parallel_loop3A_32 : i32 to index
      %parallel_loop3A_34 = tpu.vector_load %arg6[%parallel_loop3A_33] {strides = array<i32>} : memref<10240xi32, #tpu.memory_space<vmem>>, vector<16xi32>,
      tpu.vector_store %arg6[%parallel_loop3A_33], %broadcast_in_dim3A_4 {strides = array<i32>} : memref<10240xi32, #tpu.memory_space<vmem>>, vector<16xi32>,
    } {sc.loop_unroll_factor = 8 : i64, sc.parallel_access}
    %dma_wait3A = tpu.memref_slice %arg2[%add3A] : memref<640000xi32, #tpu.memory_space<hbm>> -> memref<20000xi32, #tpu.memory_space<hbm>>
    %dma_wait3A_7 = tpu.memref_slice %arg2[%add3A] : memref<640000xi32, #tpu.memory_space<hbm>> -> memref<20000xi32, #tpu.memory_space<hbm>>
    tpu.wait_dma2 semaphore(%arg12 : memref<!tpu.dma_semaphore, #tpu.memory_space<semaphore_mem>>) src(%dma_wait3A_7 : memref<20000xi32, #tpu.memory_space<hbm>>) dst(%arg5 : memref<20000xi32, #tpu.memory_space<vmem>>)
    tpu.wait_dma2 semaphore(%arg13 : memref<!tpu.dma_semaphore, #tpu.memory_space<semaphore_mem>>) src(%arg3 : memref<16xi32, #tpu.memory_space<hbm>>) dst(%arg11 : memref<16xi32, #tpu.memory_space<vmem>>)
    %broadcast_in_dim3A_8 = arith.constant 1 : i32
    %broadcast_in_dim3A_9 = vector.broadcast %broadcast_in_dim3A_8 : i32 to vector<16xi32>
    %scan3A = arith.constant 0 : i32
    %scan3A_10 = arith.constant 0 : i32
    %scan3A_11 = arith.constant 125 : i32
    %scan3A_12 = arith.addi %scan3A_10, %scan3A_11 : i32
    %scan3A_13 = arith.constant 1 : i32
    scf.for %scan3A_30 = %scan3A_10 to %scan3A_12 step %scan3A_13  : i32 {
      %mul3A_31 = arith.constant 10 : i32
      %mul3A_32 = arith.muli %scan3A_30, %mul3A_31 : i32
      %add3A_33 = arith.constant 0 : i32
      %add3A_34 = arith.addi %mul3A_32, %add3A_33 : i32
      %mul3A_35 = arith.constant 16 : i32
      %mul3A_36 = arith.muli %add3A_34, %mul3A_35 : i32
      %get3A_37 = arith.index_cast %mul3A_36 : i32 to index
      %get3A_38 = tpu.vector_load %arg5[%get3A_37] {strides = array<i32>} : memref<20000xi32, #tpu.memory_space<vmem>>, vector<16xi32>,
      tpu.vector_store_idx %arg6[%get3A_38], %broadcast_in_dim3A_9 {add = true} : memref<10240xi32, #tpu.memory_space<vmem>>[vector<16xi32>], vector<16xi32>,
      %mul3A_39 = arith.constant 10 : i32
      %mul3A_40 = arith.muli %scan3A_30, %mul3A_39 : i32
      %add3A_41 = arith.constant 1 : i32
      %add3A_42 = arith.addi %mul3A_40, %add3A_41 : i32
      %mul3A_43 = arith.constant 16 : i32
      %mul3A_44 = arith.muli %add3A_42, %mul3A_43 : i32
      %get3A_45 = arith.index_cast %mul3A_44 : i32 to index
      %get3A_46 = tpu.vector_load %arg5[%get3A_45] {strides = array<i32>} : memref<20000xi32, #tpu.memory_space<vmem>>, vector<16xi32>,
      tpu.vector_store_idx %arg6[%get3A_46], %broadcast_in_dim3A_9 {add = true} : memref<10240xi32, #tpu.memory_space<vmem>>[vector<16xi32>], vector<16xi32>,
      %mul3A_47 = arith.constant 10 : i32
      %mul3A_48 = arith.muli %scan3A_30, %mul3A_47 : i32
      %add3A_49 = arith.constant 2 : i32
      %add3A_50 = arith.addi %mul3A_48, %add3A_49 : i32
      %mul3A_51 = arith.constant 16 : i32
      %mul3A_52 = arith.muli %add3A_50, %mul3A_51 : i32
      %get3A_53 = arith.index_cast %mul3A_52 : i32 to index
      %get3A_54 = tpu.vector_load %arg5[%get3A_53] {strides = array<i32>} : memref<20000xi32, #tpu.memory_space<vmem>>, vector<16xi32>,
      tpu.vector_store_idx %arg6[%get3A_54], %broadcast_in_dim3A_9 {add = true} : memref<10240xi32, #tpu.memory_space<vmem>>[vector<16xi32>], vector<16xi32>,
      %mul3A_55 = arith.constant 10 : i32
      %mul3A_56 = arith.muli %scan3A_30, %mul3A_55 : i32
      %add3A_57 = arith.constant 3 : i32
      %add3A_58 = arith.addi %mul3A_56, %add3A_57 : i32
      %mul3A_59 = arith.constant 16 : i32
      %mul3A_60 = arith.muli %add3A_58, %mul3A_59 : i32
      %get3A_61 = arith.index_cast %mul3A_60 : i32 to index
      %get3A_62 = tpu.vector_load %arg5[%get3A_61] {strides = array<i32>} : memref<20000xi32, #tpu.memory_space<vmem>>, vector<16xi32>,
      tpu.vector_store_idx %arg6[%get3A_62], %broadcast_in_dim3A_9 {add = true} : memref<10240xi32, #tpu.memory_space<vmem>>[vector<16xi32>], vector<16xi32>,
      %mul3A_63 = arith.constant 10 : i32
      %mul3A_64 = arith.muli %scan3A_30, %mul3A_63 : i32
      %add3A_65 = arith.constant 4 : i32
      %add3A_66 = arith.addi %mul3A_64, %add3A_65 : i32
      %mul3A_67 = arith.constant 16 : i32
      %mul3A_68 = arith.muli %add3A_66, %mul3A_67 : i32
      %get3A_69 = arith.index_cast %mul3A_68 : i32 to index
      %get3A_70 = tpu.vector_load %arg5[%get3A_69] {strides = array<i32>} : memref<20000xi32, #tpu.memory_space<vmem>>, vector<16xi32>,
      tpu.vector_store_idx %arg6[%get3A_70], %broadcast_in_dim3A_9 {add = true} : memref<10240xi32, #tpu.memory_space<vmem>>[vector<16xi32>], vector<16xi32>,
      %mul3A_71 = arith.constant 10 : i32
      %mul3A_72 = arith.muli %scan3A_30, %mul3A_71 : i32
      %add3A_73 = arith.constant 5 : i32
      %add3A_74 = arith.addi %mul3A_72, %add3A_73 : i32
      %mul3A_75 = arith.constant 16 : i32
      %mul3A_76 = arith.muli %add3A_74, %mul3A_75 : i32
      %get3A_77 = arith.index_cast %mul3A_76 : i32 to index
      %get3A_78 = tpu.vector_load %arg5[%get3A_77] {strides = array<i32>} : memref<20000xi32, #tpu.memory_space<vmem>>, vector<16xi32>,
      tpu.vector_store_idx %arg6[%get3A_78], %broadcast_in_dim3A_9 {add = true} : memref<10240xi32, #tpu.memory_space<vmem>>[vector<16xi32>], vector<16xi32>,
      %mul3A_79 = arith.constant 10 : i32
      %mul3A_80 = arith.muli %scan3A_30, %mul3A_79 : i32
      %add3A_81 = arith.constant 6 : i32
      %add3A_82 = arith.addi %mul3A_80, %add3A_81 : i32
      %mul3A_83 = arith.constant 16 : i32
      %mul3A_84 = arith.muli %add3A_82, %mul3A_83 : i32
      %get3A_85 = arith.index_cast %mul3A_84 : i32 to index
      %get3A_86 = tpu.vector_load %arg5[%get3A_85] {strides = array<i32>} : memref<20000xi32, #tpu.memory_space<vmem>>, vector<16xi32>,
      tpu.vector_store_idx %arg6[%get3A_86], %broadcast_in_dim3A_9 {add = true} : memref<10240xi32, #tpu.memory_space<vmem>>[vector<16xi32>], vector<16xi32>,
      %mul3A_87 = arith.constant 10 : i32
      %mul3A_88 = arith.muli %scan3A_30, %mul3A_87 : i32
      %add3A_89 = arith.constant 7 : i32
      %add3A_90 = arith.addi %mul3A_88, %add3A_89 : i32
      %mul3A_91 = arith.constant 16 : i32
      %mul3A_92 = arith.muli %add3A_90, %mul3A_91 : i32
      %get3A_93 = arith.index_cast %mul3A_92 : i32 to index
      %get3A_94 = tpu.vector_load %arg5[%get3A_93] {strides = array<i32>} : memref<20000xi32, #tpu.memory_space<vmem>>, vector<16xi32>,
      tpu.vector_store_idx %arg6[%get3A_94], %broadcast_in_dim3A_9 {add = true} : memref<10240xi32, #tpu.memory_space<vmem>>[vector<16xi32>], vector<16xi32>,
      %mul3A_95 = arith.constant 10 : i32
      %mul3A_96 = arith.muli %scan3A_30, %mul3A_95 : i32
      %add3A_97 = arith.constant 8 : i32
      %add3A_98 = arith.addi %mul3A_96, %add3A_97 : i32
      %mul3A_99 = arith.constant 16 : i32
      %mul3A_100 = arith.muli %add3A_98, %mul3A_99 : i32
      %get3A_101 = arith.index_cast %mul3A_100 : i32 to index
      %get3A_102 = tpu.vector_load %arg5[%get3A_101] {strides = array<i32>} : memref<20000xi32, #tpu.memory_space<vmem>>, vector<16xi32>,
      tpu.vector_store_idx %arg6[%get3A_102], %broadcast_in_dim3A_9 {add = true} : memref<10240xi32, #tpu.memory_space<vmem>>[vector<16xi32>], vector<16xi32>,
      %mul3A_103 = arith.constant 10 : i32
      %mul3A_104 = arith.muli %scan3A_30, %mul3A_103 : i32
      %add3A_105 = arith.constant 9 : i32
      %add3A_106 = arith.addi %mul3A_104, %add3A_105 : i32
      %mul3A_107 = arith.constant 16 : i32
      %mul3A_108 = arith.muli %add3A_106, %mul3A_107 : i32
      %get3A_109 = arith.index_cast %mul3A_108 : i32 to index
      %get3A_110 = tpu.vector_load %arg5[%get3A_109] {strides = array<i32>} : memref<20000xi32, #tpu.memory_space<vmem>>, vector<16xi32>,
      tpu.vector_store_idx %arg6[%get3A_110], %broadcast_in_dim3A_9 {add = true} : memref<10240xi32, #tpu.memory_space<vmem>>[vector<16xi32>], vector<16xi32>,
    }
    %scan3A_14 = arith.constant 125 : i32
    "tpu.region"() ({
      %run_scoped3A = tpu.sem_alloc : memref<!tpu.dma_semaphore, #tpu.memory_space<semaphore_mem>>
      %dma_start3A_30 = arith.constant 0 : i32
      %dma_start3A_31 = tpu.memref_slice %arg14[%arg1, %dma_start3A_30] : memref<16x10240xi32, #tpu.memory_space<vmem_shared>> -> memref<1x10240xi32, #tpu.memory_space<vmem_shared>>
      %dma_start3A_32 = tpu.memref_squeeze %dma_start3A_31 : memref<1x10240xi32, #tpu.memory_space<vmem_shared>> -> memref<10240xi32, #tpu.memory_space<vmem_shared>>
      %dma_start3A_33 = arith.constant 0 : i32
      %dma_start3A_34 = tpu.memref_slice %arg14[%arg1, %dma_start3A_33] : memref<16x10240xi32, #tpu.memory_space<vmem_shared>> -> memref<1x10240xi32, #tpu.memory_space<vmem_shared>>
      %dma_start3A_35 = tpu.memref_squeeze %dma_start3A_34 : memref<1x10240xi32, #tpu.memory_space<vmem_shared>> -> memref<10240xi32, #tpu.memory_space<vmem_shared>>
      tpu.enqueue_dma source(%arg6 : memref<10240xi32, #tpu.memory_space<vmem>>) target(%dma_start3A_35 : memref<10240xi32, #tpu.memory_space<vmem_shared>>) target_semaphore(%run_scoped3A : memref<!tpu.dma_semaphore, #tpu.memory_space<semaphore_mem>>)
      %dma_wait3A_36 = arith.constant 0 : i32
      %dma_wait3A_37 = tpu.memref_slice %arg14[%arg1, %dma_wait3A_36] : memref<16x10240xi32, #tpu.memory_space<vmem_shared>> -> memref<1x10240xi32, #tpu.memory_space<vmem_shared>>
      %dma_wait3A_38 = tpu.memref_squeeze %dma_wait3A_37 : memref<1x10240xi32, #tpu.memory_space<vmem_shared>> -> memref<10240xi32, #tpu.memory_space<vmem_shared>>
      %dma_wait3A_39 = arith.constant 0 : i32
      %dma_wait3A_40 = tpu.memref_slice %arg14[%arg1, %dma_wait3A_39] : memref<16x10240xi32, #tpu.memory_space<vmem_shared>> -> memref<1x10240xi32, #tpu.memory_space<vmem_shared>>
      %dma_wait3A_41 = tpu.memref_squeeze %dma_wait3A_40 : memref<1x10240xi32, #tpu.memory_space<vmem_shared>> -> memref<10240xi32, #tpu.memory_space<vmem_shared>>
      tpu.wait_dma2 semaphore(%run_scoped3A : memref<!tpu.dma_semaphore, #tpu.memory_space<semaphore_mem>>) src(%arg6 : memref<10240xi32, #tpu.memory_space<vmem>>) dst(%dma_wait3A_41 : memref<10240xi32, #tpu.memory_space<vmem_shared>>)
      tpu.yield
    }) : () -> ()
    %barrier3A = arith.constant 0 : index
    tpu.barrier barrier_id(%barrier3A)
    %mul3A_15 = arith.constant 640 : i32
    %mul3A_16 = arith.muli %arg1, %mul3A_15 : i32
    "tpu.region"() ({
      %run_scoped3A = tpu.sem_alloc : memref<!tpu.dma_semaphore, #tpu.memory_space<semaphore_mem>>
      %dma_start3A_30 = arith.constant 0 : i32
      %dma_start3A_31 = tpu.memref_slice %arg14[%dma_start3A_30, %mul3A_16] : memref<16x10240xi32, #tpu.memory_space<vmem_shared>> -> memref<16x640xi32, #tpu.memory_space<vmem_shared>>
      %dma_start3A_32 = arith.constant 0 : i32
      %dma_start3A_33 = tpu.memref_slice %arg14[%dma_start3A_32, %mul3A_16] : memref<16x10240xi32, #tpu.memory_space<vmem_shared>> -> memref<16x640xi32, #tpu.memory_space<vmem_shared>>
      tpu.enqueue_dma source(%dma_start3A_33 : memref<16x640xi32, #tpu.memory_space<vmem_shared>>) target(%arg7 : memref<16x640xi32, #tpu.memory_space<vmem>>) target_semaphore(%run_scoped3A : memref<!tpu.dma_semaphore, #tpu.memory_space<semaphore_mem>>)
      %dma_wait3A_34 = arith.constant 0 : i32
      %dma_wait3A_35 = tpu.memref_slice %arg14[%dma_wait3A_34, %mul3A_16] : memref<16x10240xi32, #tpu.memory_space<vmem_shared>> -> memref<16x640xi32, #tpu.memory_space<vmem_shared>>
      %dma_wait3A_36 = arith.constant 0 : i32
      %dma_wait3A_37 = tpu.memref_slice %arg14[%dma_wait3A_36, %mul3A_16] : memref<16x10240xi32, #tpu.memory_space<vmem_shared>> -> memref<16x640xi32, #tpu.memory_space<vmem_shared>>
      tpu.wait_dma2 semaphore(%run_scoped3A : memref<!tpu.dma_semaphore, #tpu.memory_space<semaphore_mem>>) src(%dma_wait3A_37 : memref<16x640xi32, #tpu.memory_space<vmem_shared>>) dst(%arg7 : memref<16x640xi32, #tpu.memory_space<vmem>>)
      tpu.yield
    }) : () -> ()
    %get3A = arith.constant 0 : index
    %get3A_17 = tpu.vector_load %arg11[%get3A] {strides = array<i32>} : memref<16xi32, #tpu.memory_space<vmem>>, vector<16xi32>,
    %scan3A_18 = arith.constant 0 : i32
    %scan3A_19 = arith.constant 0 : i32
    %scan3A_20 = arith.constant 40 : i32
    %scan3A_21 = arith.addi %scan3A_19, %scan3A_20 : i32
    %scan3A_22 = arith.constant 1 : i32
    scf.for %scan3A_30 = %scan3A_19 to %scan3A_21 step %scan3A_22  : i32 {
      %broadcast_in_dim3A_31 = arith.constant 0 : i32
      %broadcast_in_dim3A_32 = vector.broadcast %broadcast_in_dim3A_31 : i32 to vector<16xi32>
      %mul3A_33 = arith.constant 16 : i32
      %mul3A_34 = arith.muli %scan3A_30, %mul3A_33 : i32
      %get3A_35 = arith.constant 0 : i32
      %get3A_36 = arith.index_cast %get3A_35 : i32 to index
      %get3A_37 = arith.index_cast %mul3A_34 : i32 to index
      %get3A_38 = tpu.vector_load %arg7[%get3A_36, %get3A_37] {strides = array<i32>} : memref<16x640xi32, #tpu.memory_space<vmem>>, vector<16xi32>,
      %add3A_39 = arith.addi %broadcast_in_dim3A_32, %get3A_38 : vector<16xi32>
      %mul3A_40 = arith.constant 16 : i32
      %mul3A_41 = arith.muli %scan3A_30, %mul3A_40 : i32
      %get3A_42 = arith.constant 1 : i32
      %get3A_43 = arith.index_cast %get3A_42 : i32 to index
      %get3A_44 = arith.index_cast %mul3A_41 : i32 to index
      %get3A_45 = tpu.vector_load %arg7[%get3A_43, %get3A_44] {strides = array<i32>} : memref<16x640xi32, #tpu.memory_space<vmem>>, vector<16xi32>,
      %add3A_46 = arith.addi %add3A_39, %get3A_45 : vector<16xi32>
      %mul3A_47 = arith.constant 16 : i32
      %mul3A_48 = arith.muli %scan3A_30, %mul3A_47 : i32
      %get3A_49 = arith.constant 2 : i32
      %get3A_50 = arith.index_cast %get3A_49 : i32 to index
      %get3A_51 = arith.index_cast %mul3A_48 : i32 to index
      %get3A_52 = tpu.vector_load %arg7[%get3A_50, %get3A_51] {strides = array<i32>} : memref<16x640xi32, #tpu.memory_space<vmem>>, vector<16xi32>,
      %add3A_53 = arith.addi %add3A_46, %get3A_52 : vector<16xi32>
      %mul3A_54 = arith.constant 16 : i32
      %mul3A_55 = arith.muli %scan3A_30, %mul3A_54 : i32
      %get3A_56 = arith.constant 3 : i32
      %get3A_57 = arith.index_cast %get3A_56 : i32 to index
      %get3A_58 = arith.index_cast %mul3A_55 : i32 to index
      %get3A_59 = tpu.vector_load %arg7[%get3A_57, %get3A_58] {strides = array<i32>} : memref<16x640xi32, #tpu.memory_space<vmem>>, vector<16xi32>,
      %add3A_60 = arith.addi %add3A_53, %get3A_59 : vector<16xi32>
      %mul3A_61 = arith.constant 16 : i32
      %mul3A_62 = arith.muli %scan3A_30, %mul3A_61 : i32
      %get3A_63 = arith.constant 4 : i32
      %get3A_64 = arith.index_cast %get3A_63 : i32 to index
      %get3A_65 = arith.index_cast %mul3A_62 : i32 to index
      %get3A_66 = tpu.vector_load %arg7[%get3A_64, %get3A_65] {strides = array<i32>} : memref<16x640xi32, #tpu.memory_space<vmem>>, vector<16xi32>,
      %add3A_67 = arith.addi %add3A_60, %get3A_66 : vector<16xi32>
      %mul3A_68 = arith.constant 16 : i32
      %mul3A_69 = arith.muli %scan3A_30, %mul3A_68 : i32
      %get3A_70 = arith.constant 5 : i32
      %get3A_71 = arith.index_cast %get3A_70 : i32 to index
      %get3A_72 = arith.index_cast %mul3A_69 : i32 to index
      %get3A_73 = tpu.vector_load %arg7[%get3A_71, %get3A_72] {strides = array<i32>} : memref<16x640xi32, #tpu.memory_space<vmem>>, vector<16xi32>,
      %add3A_74 = arith.addi %add3A_67, %get3A_73 : vector<16xi32>
      %mul3A_75 = arith.constant 16 : i32
      %mul3A_76 = arith.muli %scan3A_30, %mul3A_75 : i32
      %get3A_77 = arith.constant 6 : i32
      %get3A_78 = arith.index_cast %get3A_77 : i32 to index
      %get3A_79 = arith.index_cast %mul3A_76 : i32 to index
      %get3A_80 = tpu.vector_load %arg7[%get3A_78, %get3A_79] {strides = array<i32>} : memref<16x640xi32, #tpu.memory_space<vmem>>, vector<16xi32>,
      %add3A_81 = arith.addi %add3A_74, %get3A_80 : vector<16xi32>
      %mul3A_82 = arith.constant 16 : i32
      %mul3A_83 = arith.muli %scan3A_30, %mul3A_82 : i32
      %get3A_84 = arith.constant 7 : i32
      %get3A_85 = arith.index_cast %get3A_84 : i32 to index
      %get3A_86 = arith.index_cast %mul3A_83 : i32 to index
      %get3A_87 = tpu.vector_load %arg7[%get3A_85, %get3A_86] {strides = array<i32>} : memref<16x640xi32, #tpu.memory_space<vmem>>, vector<16xi32>,
      %add3A_88 = arith.addi %add3A_81, %get3A_87 : vector<16xi32>
      %mul3A_89 = arith.constant 16 : i32
      %mul3A_90 = arith.muli %scan3A_30, %mul3A_89 : i32
      %get3A_91 = arith.constant 8 : i32
      %get3A_92 = arith.index_cast %get3A_91 : i32 to index
      %get3A_93 = arith.index_cast %mul3A_90 : i32 to index
      %get3A_94 = tpu.vector_load %arg7[%get3A_92, %get3A_93] {strides = array<i32>} : memref<16x640xi32, #tpu.memory_space<vmem>>, vector<16xi32>,
      %add3A_95 = arith.addi %add3A_88, %get3A_94 : vector<16xi32>
      %mul3A_96 = arith.constant 16 : i32
      %mul3A_97 = arith.muli %scan3A_30, %mul3A_96 : i32
      %get3A_98 = arith.constant 9 : i32
      %get3A_99 = arith.index_cast %get3A_98 : i32 to index
      %get3A_100 = arith.index_cast %mul3A_97 : i32 to index
      %get3A_101 = tpu.vector_load %arg7[%get3A_99, %get3A_100] {strides = array<i32>} : memref<16x640xi32, #tpu.memory_space<vmem>>, vector<16xi32>,
      %add3A_102 = arith.addi %add3A_95, %get3A_101 : vector<16xi32>
      %mul3A_103 = arith.constant 16 : i32
      %mul3A_104 = arith.muli %scan3A_30, %mul3A_103 : i32
      %get3A_105 = arith.constant 10 : i32
      %get3A_106 = arith.index_cast %get3A_105 : i32 to index
      %get3A_107 = arith.index_cast %mul3A_104 : i32 to index
      %get3A_108 = tpu.vector_load %arg7[%get3A_106, %get3A_107] {strides = array<i32>} : memref<16x640xi32, #tpu.memory_space<vmem>>, vector<16xi32>,
      %add3A_109 = arith.addi %add3A_102, %get3A_108 : vector<16xi32>
      %mul3A_110 = arith.constant 16 : i32
      %mul3A_111 = arith.muli %scan3A_30, %mul3A_110 : i32
      %get3A_112 = arith.constant 11 : i32
      %get3A_113 = arith.index_cast %get3A_112 : i32 to index
      %get3A_114 = arith.index_cast %mul3A_111 : i32 to index
      %get3A_115 = tpu.vector_load %arg7[%get3A_113, %get3A_114] {strides = array<i32>} : memref<16x640xi32, #tpu.memory_space<vmem>>, vector<16xi32>,
      %add3A_116 = arith.addi %add3A_109, %get3A_115 : vector<16xi32>
      %mul3A_117 = arith.constant 16 : i32
      %mul3A_118 = arith.muli %scan3A_30, %mul3A_117 : i32
      %get3A_119 = arith.constant 12 : i32
      %get3A_120 = arith.index_cast %get3A_119 : i32 to index
      %get3A_121 = arith.index_cast %mul3A_118 : i32 to index
      %get3A_122 = tpu.vector_load %arg7[%get3A_120, %get3A_121] {strides = array<i32>} : memref<16x640xi32, #tpu.memory_space<vmem>>, vector<16xi32>,
      %add3A_123 = arith.addi %add3A_116, %get3A_122 : vector<16xi32>
      %mul3A_124 = arith.constant 16 : i32
      %mul3A_125 = arith.muli %scan3A_30, %mul3A_124 : i32
      %get3A_126 = arith.constant 13 : i32
      %get3A_127 = arith.index_cast %get3A_126 : i32 to index
      %get3A_128 = arith.index_cast %mul3A_125 : i32 to index
      %get3A_129 = tpu.vector_load %arg7[%get3A_127, %get3A_128] {strides = array<i32>} : memref<16x640xi32, #tpu.memory_space<vmem>>, vector<16xi32>,
      %add3A_130 = arith.addi %add3A_123, %get3A_129 : vector<16xi32>
      %mul3A_131 = arith.constant 16 : i32
      %mul3A_132 = arith.muli %scan3A_30, %mul3A_131 : i32
      %get3A_133 = arith.constant 14 : i32
      %get3A_134 = arith.index_cast %get3A_133 : i32 to index
      %get3A_135 = arith.index_cast %mul3A_132 : i32 to index
      %get3A_136 = tpu.vector_load %arg7[%get3A_134, %get3A_135] {strides = array<i32>} : memref<16x640xi32, #tpu.memory_space<vmem>>, vector<16xi32>,
      %add3A_137 = arith.addi %add3A_130, %get3A_136 : vector<16xi32>
      %mul3A_138 = arith.constant 16 : i32
      %mul3A_139 = arith.muli %scan3A_30, %mul3A_138 : i32
      %get3A_140 = arith.constant 15 : i32
      %get3A_141 = arith.index_cast %get3A_140 : i32 to index
      %get3A_142 = arith.index_cast %mul3A_139 : i32 to index
      %get3A_143 = tpu.vector_load %arg7[%get3A_141, %get3A_142] {strides = array<i32>} : memref<16x640xi32, #tpu.memory_space<vmem>>, vector<16xi32>,
      %add3A_144 = arith.addi %add3A_137, %get3A_143 : vector<16xi32>
      %iota3A = tpu.iota {dimensions = array<i32: 0>} : vector<16xi32>
      %mul3A_145 = arith.constant 640 : i32
      %mul3A_146 = arith.muli %arg1, %mul3A_145 : i32
      %mul3A_147 = arith.constant 16 : i32
      %mul3A_148 = arith.muli %scan3A_30, %mul3A_147 : i32
      %add3A_149 = arith.addi %mul3A_146, %mul3A_148 : i32
      %add3A_150 = vector.broadcast %add3A_149 : i32 to vector<16xi32>
      %add3A_151 = arith.addi %iota3A, %add3A_150 : vector<16xi32>
      %lt3A = arith.cmpi slt, %add3A_151, %get3A_17 : vector<16xi32>
      %jit3A = arith.constant 0 : i32
      %broadcast_in_dim3A_152 = vector.broadcast %jit3A : i32 to vector<16xi32>
      %select_n3A = arith.select %lt3A, %add3A_144, %broadcast_in_dim3A_152 : vector<16xi1>, vector<16xi32>
      %min3A = arith.constant 255 : i32
      %min3A_153 = vector.broadcast %min3A : i32 to vector<16xi32>
      %min3A_154 = arith.minsi %select_n3A, %min3A_153 : vector<16xi32>
      %mul3A_155 = arith.constant 16 : i32
      %mul3A_156 = arith.muli %scan3A_30, %mul3A_155 : i32
      %swap3A = arith.index_cast %mul3A_156 : i32 to index
      %swap3A_157 = tpu.vector_load %arg8[%swap3A] {strides = array<i32>} : memref<640xi32, #tpu.memory_space<vmem>>, vector<16xi32>,
      tpu.vector_store %arg8[%swap3A], %min3A_154 {strides = array<i32>} : memref<640xi32, #tpu.memory_space<vmem>>, vector<16xi32>,
    }
    %scan3A_23 = arith.constant 40 : i32
    %mul3A_24 = arith.constant 640 : i32
    %mul3A_25 = arith.muli %arg1, %mul3A_24 : i32
    "tpu.region"() ({
      %run_scoped3A = tpu.sem_alloc : memref<!tpu.dma_semaphore, #tpu.memory_space<semaphore_mem>>
      %dma_start3A_30 = tpu.memref_slice %arg15[%mul3A_25] : memref<10240xi32, #tpu.memory_space<vmem_shared>> -> memref<640xi32, #tpu.memory_space<vmem_shared>>
      %dma_start3A_31 = tpu.memref_slice %arg15[%mul3A_25] : memref<10240xi32, #tpu.memory_space<vmem_shared>> -> memref<640xi32, #tpu.memory_space<vmem_shared>>
      tpu.enqueue_dma source(%arg8 : memref<640xi32, #tpu.memory_space<vmem>>) target(%dma_start3A_31 : memref<640xi32, #tpu.memory_space<vmem_shared>>) target_semaphore(%run_scoped3A : memref<!tpu.dma_semaphore, #tpu.memory_space<semaphore_mem>>)
      %dma_wait3A_32 = tpu.memref_slice %arg15[%mul3A_25] : memref<10240xi32, #tpu.memory_space<vmem_shared>> -> memref<640xi32, #tpu.memory_space<vmem_shared>>
      %dma_wait3A_33 = tpu.memref_slice %arg15[%mul3A_25] : memref<10240xi32, #tpu.memory_space<vmem_shared>> -> memref<640xi32, #tpu.memory_space<vmem_shared>>
      tpu.wait_dma2 semaphore(%run_scoped3A : memref<!tpu.dma_semaphore, #tpu.memory_space<semaphore_mem>>) src(%arg8 : memref<640xi32, #tpu.memory_space<vmem>>) dst(%dma_wait3A_33 : memref<640xi32, #tpu.memory_space<vmem_shared>>)
      tpu.yield
    }) : () -> ()
    %barrier3A_26 = arith.constant 0 : index
    tpu.barrier barrier_id(%barrier3A_26)
    "tpu.region"() ({
      %run_scoped3A = tpu.sem_alloc : memref<!tpu.dma_semaphore, #tpu.memory_space<semaphore_mem>>
      tpu.enqueue_dma source(%arg15 : memref<10240xi32, #tpu.memory_space<vmem_shared>>) target(%arg9 : memref<10240xi32, #tpu.memory_space<vmem>>) target_semaphore(%run_scoped3A : memref<!tpu.dma_semaphore, #tpu.memory_space<semaphore_mem>>)
      tpu.wait_dma2 semaphore(%run_scoped3A : memref<!tpu.dma_semaphore, #tpu.memory_space<semaphore_mem>>) src(%arg15 : memref<10240xi32, #tpu.memory_space<vmem_shared>>) dst(%arg9 : memref<10240xi32, #tpu.memory_space<vmem>>)
      tpu.yield
    }) : () -> ()
    %parallel_loop3A_27 = arith.constant 0 : i32
    %parallel_loop3A_28 = arith.constant 1250 : i32
    %parallel_loop3A_29 = arith.constant 1 : i32
    scf.for %parallel_loop3A_30 = %parallel_loop3A_27 to %parallel_loop3A_28 step %parallel_loop3A_29  : i32 {
      %parallel_loop3A_31 = arith.constant 16 : i32
      %parallel_loop3A_32 = arith.muli %parallel_loop3A_30, %parallel_loop3A_31 : i32
      %parallel_loop3A_33 = arith.index_cast %parallel_loop3A_32 : i32 to index
      %parallel_loop3A_34 = tpu.vector_load %arg5[%parallel_loop3A_33] {strides = array<i32>} : memref<20000xi32, #tpu.memory_space<vmem>>, vector<16xi32>,
      %parallel_loop3A_35 = tpu.vector_load_idx %arg9[%parallel_loop3A_34] : memref<10240xi32, #tpu.memory_space<vmem>>[vector<16xi32>], vector<16xi32>,
      %parallel_loop3A_36 = arith.constant 16 : i32
      %parallel_loop3A_37 = arith.muli %parallel_loop3A_30, %parallel_loop3A_36 : i32
      %parallel_loop3A_38 = arith.index_cast %parallel_loop3A_37 : i32 to index
      %parallel_loop3A_39 = tpu.vector_load %arg10[%parallel_loop3A_38] {strides = array<i32>} : memref<20000xi32, #tpu.memory_space<vmem>>, vector<16xi32>,
      tpu.vector_store %arg10[%parallel_loop3A_38], %parallel_loop3A_35 {strides = array<i32>} : memref<20000xi32, #tpu.memory_space<vmem>>, vector<16xi32>,
    } {sc.loop_unroll_factor = 10 : i64, sc.parallel_access}
    "tpu.region"() ({
      %run_scoped3A = tpu.sem_alloc : memref<!tpu.dma_semaphore, #tpu.memory_space<semaphore_mem>>
      %dma_start3A_30 = tpu.memref_slice %arg4[%add3A] : memref<640000xi32, #tpu.memory_space<hbm>> -> memref<20000xi32, #tpu.memory_space<hbm>>
      %dma_start3A_31 = tpu.memref_slice %arg4[%add3A] : memref<640000xi32, #tpu.memory_space<hbm>> -> memref<20000xi32, #tpu.memory_space<hbm>>
      tpu.enqueue_dma source(%arg10 : memref<20000xi32, #tpu.memory_space<vmem>>) target(%dma_start3A_31 : memref<20000xi32, #tpu.memory_space<hbm>>) target_semaphore(%run_scoped3A : memref<!tpu.dma_semaphore, #tpu.memory_space<semaphore_mem>>)
      %dma_wait3A_32 = tpu.memref_slice %arg4[%add3A] : memref<640000xi32, #tpu.memory_space<hbm>> -> memref<20000xi32, #tpu.memory_space<hbm>>
      %dma_wait3A_33 = tpu.memref_slice %arg4[%add3A] : memref<640000xi32, #tpu.memory_space<hbm>> -> memref<20000xi32, #tpu.memory_space<hbm>>
      tpu.wait_dma2 semaphore(%run_scoped3A : memref<!tpu.dma_semaphore, #tpu.memory_space<semaphore_mem>>) src(%arg10 : memref<20000xi32, #tpu.memory_space<vmem>>) dst(%dma_wait3A_33 : memref<20000xi32, #tpu.memory_space<hbm>>)
      tpu.yield
    }) : () -> ()
    return
  }
}

module attributes {stable_mosaic.version = 14 : i64} {
  func.func @_tc_body(%arg0: i32, %arg1: memref<640000xi32, #tpu.memory_space<vmem>>, %arg2: memref<1x256xbf16, #tpu.memory_space<vmem>>, %arg3: memref<16x12800xf32, #tpu.memory_space<vmem>>, %arg4: memref<512x128xf8E4M3FN, #tpu.memory_space<vmem>>, %arg5: memref<17x128xbf16, #tpu.memory_space<vmem>>, %arg6: memref<12800x128xf32, #tpu.memory_space<vmem>>) attributes {dimension_semantics = [#tpu.dimension_semantics<arbitrary>], iteration_bounds = array<i64: 25>, scalar_prefetch = 0 : i64, scratch_operands = 0 : i64, tpu.core_type = #tpu.core_type<tc>, window_params = [{pipeline_mode = #tpu.pipeline_mode<synchronous>, transform_indices = @transform_0, window_bounds = array<i64: 640000>}, {pipeline_mode = #tpu.pipeline_mode<synchronous>, transform_indices = @transform_1, window_bounds = array<i64: 1, 256>}, {transform_indices = @transform_2, window_bounds = array<i64: 16, 12800>}, {pipeline_mode = #tpu.pipeline_mode<synchronous>, transform_indices = @transform_3, window_bounds = array<i64: 512, 128>}, {pipeline_mode = #tpu.pipeline_mode<synchronous>, transform_indices = @transform_4, window_bounds = array<i64: 17, 128>}, {transform_indices = @transform_5, window_bounds = array<i64: 12800, 128>}]} {
    %mul3A = arith.constant 12800 : i32
    %mul3A_0 = arith.muli %arg0, %mul3A : i32
    %get3A = arith.index_cast %mul3A_0 : i32 to index
    %get3A_1 = vector.load %arg1[%get3A] : memref<640000xi32, #tpu.memory_space<vmem>>, vector<12800xi32>
    %convert_element_type3A = arith.sitofp %get3A_1 : vector<12800xi32> to vector<12800xbf16>
    %broadcast_in_dim3A = vector.shape_cast %convert_element_type3A : vector<12800xbf16> to vector<12800x1xbf16>
    %mul3A_2 = arith.constant 12800 : i32
    %mul3A_3 = arith.muli %arg0, %mul3A_2 : i32
    %add3A = arith.constant 320000 : i32
    %add3A_4 = arith.addi %add3A, %mul3A_3 : i32
    %get3A_5 = arith.index_cast %add3A_4 : i32 to index
    %get3A_6 = vector.load %arg1[%get3A_5] : memref<640000xi32, #tpu.memory_space<vmem>>, vector<12800xi32>
    %convert_element_type3A_7 = arith.sitofp %get3A_6 : vector<12800xi32> to vector<12800xbf16>
    %broadcast_in_dim3A_8 = vector.shape_cast %convert_element_type3A_7 : vector<12800xbf16> to vector<12800x1xbf16>
    %get3A_9 = arith.constant 0 : index
    %get3A_10 = arith.constant 0 : index
    %get3A_11 = vector.load %arg2[%get3A_9, %get3A_10] : memref<1x256xbf16, #tpu.memory_space<vmem>>, vector<1x256xbf16>
    %sub3A = vector.broadcast %get3A_11 : vector<1x256xbf16> to vector<12800x256xbf16>
    %sub3A_12 = vector.broadcast %broadcast_in_dim3A : vector<12800x1xbf16> to vector<12800x256xbf16>
    %sub3A_13 = arith.subf %sub3A, %sub3A_12 : vector<12800x256xbf16>
    %abs3A = math.absf %sub3A_13 : vector<12800x256xbf16>
    %sub3A_14 = arith.constant 1.000000e+00 : bf16
    %sub3A_15 = vector.broadcast %sub3A_14 : bf16 to vector<12800x256xbf16>
    %sub3A_16 = arith.subf %sub3A_15, %abs3A : vector<12800x256xbf16>
    %max3A = arith.constant 0.000000e+00 : bf16
    %max3A_17 = vector.broadcast %max3A : bf16 to vector<12800x256xbf16>
    %max3A_18 = arith.maximumf %sub3A_16, %max3A_17 : vector<12800x256xbf16>
    %sub3A_19 = vector.broadcast %get3A_11 : vector<1x256xbf16> to vector<12800x256xbf16>
    %sub3A_20 = vector.broadcast %broadcast_in_dim3A_8 : vector<12800x1xbf16> to vector<12800x256xbf16>
    %sub3A_21 = arith.subf %sub3A_19, %sub3A_20 : vector<12800x256xbf16>
    %abs3A_22 = math.absf %sub3A_21 : vector<12800x256xbf16>
    %sub3A_23 = arith.constant 1.000000e+00 : bf16
    %sub3A_24 = vector.broadcast %sub3A_23 : bf16 to vector<12800x256xbf16>
    %sub3A_25 = arith.subf %sub3A_24, %abs3A_22 : vector<12800x256xbf16>
    %max3A_26 = arith.constant 0.000000e+00 : bf16
    %max3A_27 = vector.broadcast %max3A_26 : bf16 to vector<12800x256xbf16>
    %max3A_28 = arith.maximumf %sub3A_25, %max3A_27 : vector<12800x256xbf16>
    %concatenate3A = tpu.concatenate %max3A_18, %max3A_28 in 1 : vector<12800x256xbf16>, vector<12800x256xbf16> -> vector<12800x512xbf16>
    %convert_element_type3A_29 = arith.truncf %concatenate3A : vector<12800x512xbf16> to vector<12800x512xf8E4M3FN>
    %get3A_30 = arith.constant 0 : index
    %get3A_31 = arith.constant 0 : index
    %get3A_32 = vector.load %arg4[%get3A_30, %get3A_31] : memref<512x128xf8E4M3FN, #tpu.memory_space<vmem>>, vector<512x128xf8E4M3FN>
    %dot_general3A = arith.constant dense<0.000000e+00> : vector<12800x128xf32>
    %dot_general3A_33 = tpu.matmul %convert_element_type3A_29, %get3A_32, %dot_general3A {dimension_numbers = #tpu.dot_dimension_numbers<[1], [0], [0], [1], [0, 0, 1, 1], [], []>, transpose_lhs_hint = false} : vector<12800x512xf8E4M3FN>, vector<512x128xf8E4M3FN>, vector<12800x128xf32> -> vector<12800x128xf32>
    %get3A_34 = arith.constant 0 : index
    %get3A_35 = arith.constant 0 : index
    %get3A_36 = vector.load %arg3[%get3A_34, %get3A_35] : memref<16x12800xf32, #tpu.memory_space<vmem>>, vector<16x12800xf32>
    %convert_element_type3A_37 = arith.truncf %get3A_36 : vector<16x12800xf32> to vector<16x12800xbf16>
    %broadcast_in_dim3A_38 = arith.constant 1.000000e+00 : bf16
    %broadcast_in_dim3A_39 = vector.broadcast %broadcast_in_dim3A_38 : bf16 to vector<1x12800xbf16>
    %concatenate3A_40 = tpu.concatenate %convert_element_type3A_37, %broadcast_in_dim3A_39 in 0 : vector<16x12800xbf16>, vector<1x12800xbf16> -> vector<17x12800xbf16>
    %get3A_41 = arith.constant 0 : index
    %get3A_42 = arith.constant 0 : index
    %get3A_43 = vector.load %arg5[%get3A_41, %get3A_42] : memref<17x128xbf16, #tpu.memory_space<vmem>>, vector<17x128xbf16>
    %dot_general3A_44 = arith.constant dense<0.000000e+00> : vector<12800x128xf32>
    %dot_general3A_45 = tpu.matmul %concatenate3A_40, %get3A_43, %dot_general3A_44 {dimension_numbers = #tpu.dot_dimension_numbers<[0], [0], [1], [1], [0, 1, 1, 1], [], []>, transpose_lhs_hint = false} : vector<17x12800xbf16>, vector<17x128xbf16>, vector<12800x128xf32> -> vector<12800x128xf32>
    %add3A_46 = arith.addf %dot_general3A_33, %dot_general3A_45 : vector<12800x128xf32>
    %swap3A = arith.constant 0 : index
    %swap3A_47 = arith.constant 0 : index
    %swap3A_48 = vector.load %arg6[%swap3A, %swap3A_47] : memref<12800x128xf32, #tpu.memory_space<vmem>>, vector<12800x128xf32>
    tpu.vector_store %arg6[%swap3A, %swap3A_47], %add3A_46 {strides = array<i32>} : memref<12800x128xf32, #tpu.memory_space<vmem>>, vector<12800x128xf32>,
    return
  }
  func.func @transform_0(%arg0: i32) -> i32 {
    %c0_i32 = arith.constant 0 : i32
    %c0_i32_0 = arith.constant 0 : i32
    return %c0_i32 : i32
  }
  func.func @transform_1(%arg0: i32) -> (i32, i32) {
    %c0_i32 = arith.constant 0 : i32
    %c0_i32_0 = arith.constant 0 : i32
    %c0_i32_1 = arith.constant 0 : i32
    return %c0_i32, %c0_i32_0 : i32, i32
  }
  func.func @transform_2(%arg0: i32) -> (i32, i32) {
    %c0_i32 = arith.constant 0 : i32
    %c0_i32_0 = arith.constant 0 : i32
    return %c0_i32, %arg0 : i32, i32
  }
  func.func @transform_3(%arg0: i32) -> (i32, i32) {
    %c0_i32 = arith.constant 0 : i32
    %c0_i32_0 = arith.constant 0 : i32
    %c0_i32_1 = arith.constant 0 : i32
    return %c0_i32, %c0_i32_0 : i32, i32
  }
  func.func @transform_4(%arg0: i32) -> (i32, i32) {
    %c0_i32 = arith.constant 0 : i32
    %c0_i32_0 = arith.constant 0 : i32
    %c0_i32_1 = arith.constant 0 : i32
    return %c0_i32, %c0_i32_0 : i32, i32
  }
  func.func @transform_5(%arg0: i32) -> (i32, i32) {
    %c0_i32 = arith.constant 0 : i32
    %c0_i32_0 = arith.constant 0 : i32
    return %arg0, %c0_i32 : i32, i32
  }
}

</mosaic_0001>

<sc_bundles>
// kernel: kernel.4.cloned.1.call-start
scs
__scs_entry_jumppad:
0x0: {  	(pc) =	sbr.rel $0x88, $3  }
0x1: {  	(tag) =	ssettag $0x0;
	lr =	simm.s32 $0x1  }
0x2: {  	[smem:$0x3F9A] =	sst lr;
	_ =	strace $0xD0000000  }
0x3: {  	_ = 	snop  }
0x4: {  	_ = 	snop  }
0x5: {  	_ = 	snop  }
0x6: {  	_ = 	snop  }
0x7: {  	_ = 	snop  }
__scs_overlays_trampoline_lowered:
0x8: {  	[smem:$0x3FA9] =	sst s0  }
0x9: {  	[smem:$0x3FAA] =	sst s1  }
0xa: {  	[smem:$0x3FAB] =	sst s2  }
0xb: {  	[smem:$0x3FAC] =	sst s3  }
0xc: {  	[smem:$0x3FAD] =	sst s4  }
0xd: {  	[smem:$0x3FAE] =	sst s5  }
0xe: {  	[smem:$0x3FAF] =	sst s6  }
0xf: {  	[smem:$0x3FB0] =	sst s7  }
0x10: {  	[smem:$0x3FB1] =	sst s8  }
0x11: {  	[smem:$0x3FB2] =	sst s9;
	s0 =	simm.s32 @!p0 $0x0  }
0x12: {  	s1 =	sld [smem:$0x3F98];
	s0 =	simm.s32 @p0 $0x1  }
0x13: {  	[smem:$0x3FB3] =	sst s0;
	s0 =	simm.s32 @!p1 $0x0  }
0x14: {  	s2 =	sld [smem:$0x3F97];
	s0 =	simm.s32 @p1 $0x1  }
0x15: {  	[smem:$0x3FB4] =	sst s0;
	s0 =	simm.s32 @!p2 $0x0  }
0x16: {  	s3 =	sld [smem:$0x3FDB];
	s0 =	simm.s32 @p2 $0x1  }
0x17: {  	s4 =	simm.s32 $0x1BF5;
	[smem:$0x3FB6] =	sst s0  }
0x18: {  	s0 =	sld [smem:$0x3F99];
	_ =	swait.ge [sflag:s4], $0x0  }
0x19: {  	s7 =	sld [smem:$0x3F9A]  }
0x1a: {  	s8 =	sadd.s32 $0xFFFFE003, lr  }
0x1b: {  	s9 =	sadd.s32 $0xFFFFFEF7, lr;
	s5 =	simm.s32 $0xFFFFFFFF;
	p2 =	slt.u32 s8, $0xFFFFF086  }
0x1c: {  	p1 =	slt.u32 s9, $0xF7A;
	s5 =	simm.s32 @!p2 $0x0  }
0x1d: {  	s5 =	simm.s32 @p1 $0x1;
	p0 =	seq.s32 s7, s2  }
0x1e: {  	s7 =	smul.u32 @!p0 $0xF7A, s2;
	p2 =	seq.s32 @!p0 s5, $0x0  }
0x1f: {  	s9 =	smul.u32 $0xF7A, s1;
	s8 =	simm.s32 @!p0 $0x1BF5;
	p2 =	por !p2, p0  }
0x20: {  	[sflag:s8] =	ssyncset.s32 @!p0 $0xFFFFF086;
	s6 =	sadd.s32 @!p0 s3, s7;
	s7 =	simm.s32 @!p0 $0x108  }
0x21: {  	s3 =	sadd.s32 s3, s9;
	s6 =	sadd.s32 @!p0 $0x88, s6;
	s7 =	simm.s32 @p2 $0x1082  }
0x22: {  	[simem:s7], [sflag:s8] =	dma.local @!p0 [hbm:s6], $0xF7A  }
0x23: {  	s9 =	sor.u32 $0xD0000000, s2;
	s6 =	simm.s32 $0x108;
	_ =	swait.ge @!p0 [sflag:s8], $0x0  }
0x24: {  	s3 =	sadd.s32 $0x88, s3;
	s6 =	simm.s32 @!p1 $0x1082;
	[sflag:s4] =	ssyncset.s32 $0xFFFFF086  }
0x25: {  	[simem:s6], [sflag:s4] =	dma.local [hbm:s3], $0xF7A  }
0x26: {  	[smem:$0x3F9A] =	sst s1;
	(tag) =	ssettag s2;
	_ =	strace s9  }
0x27: {  	s1 =	sld [smem:$0x3FAA]  }
0x28: {  	s2 =	sld [smem:$0x3FAB]  }
0x29: {  	s4 =	sld [smem:$0x3FAD]  }
0x2a: {  	p0 =	seq.s32 s5, $0x0;
	s5 =	sld [smem:$0x3FAE]  }
0x2b: {  	s6 =	sld [smem:$0x3FAF]  }
0x2c: {  	s7 =	sld [smem:$0x3FB0]  }
0x2d: {  	s3 =	simm.s32 $0x108;
	s8 =	sld [smem:$0x3FB1]  }
0x2e: {  	s3 =	simm.s32 @!p0 $0x1082;
	s9 =	sld [smem:$0x3FB2]  }
0x2f: {  	lr =	sadd.s32 s0, s3;
	s0 =	sld [smem:$0x3FA9]  }
0x30: {  	s3 =	sld [smem:$0x3FAC]  }
0x31: {  	[smem:$0x3FB5] =	sst s10  }
0x32: {  	s10 =	sld [smem:$0x3FB3];
	_ =	sdelay $0x3  }
0x33: {  	p0 =	seq.s32 s10, $0x1;
	s10 =	sld [smem:$0x3FB5];
	_ =	sdelay $0x3  }
0x34: {  	[smem:$0x3FB5] =	sst s10  }
0x35: {  	s10 =	sld [smem:$0x3FB4];
	_ =	sdelay $0x3  }
0x36: {  	p1 =	seq.s32 s10, $0x1;
	s10 =	sld [smem:$0x3FB5];
	_ =	sdelay $0x3  }
0x37: {  	[smem:$0x3FB5] =	sst s10  }
0x38: {  	s10 =	sld [smem:$0x3FB6]  }
0x39: {  	_ = 	snop;
	(pc) =	sbr.ind lr, $3  }
0x3a: {  	_ = 	snop  }
0x3b: {  	_ = 	snop  }
0x3c: {  	p2 =	seq.s32 s10, $0x1;
	s10 =	sld [smem:$0x3FB5]  }
0x3d: {  	_ =	shalt  }
0x3e: {  	_ =	shalt  }
0x3f: {  	_ =	shalt  }
0x40: {  	_ =	shalt  }
0x41: {  	_ =	shalt  }
0x42: {  	_ =	shalt  }
0x43: {  	_ =	shalt  }
0x44: {  	_ =	shalt  }
0x45: {  	_ =	shalt  }
0x46: {  	_ =	shalt  }
0x47: {  	_ =	shalt  }
0x48: {  	_ =	shalt  }
0x49: {  	_ =	shalt  }
0x4a: {  	_ =	shalt  }
0x4b: {  	_ =	shalt  }
0x4c: {  	_ =	shalt  }
0x4d: {  	_ =	shalt  }
0x4e: {  	_ =	shalt  }
0x4f: {  	_ =	shalt  }
0x50: {  	_ =	shalt  }
0x51: {  	_ =	shalt  }
0x52: {  	_ =	shalt  }
0x53: {  	_ =	shalt  }
0x54: {  	_ =	shalt  }
0x55: {  	_ =	shalt  }
0x56: {  	_ =	shalt  }
0x57: {  	_ =	shalt  }
0x58: {  	_ =	shalt  }
0x59: {  	_ =	shalt  }
0x5a: {  	_ =	shalt  }
0x5b: {  	_ =	shalt  }
0x5c: {  	_ =	shalt  }
0x5d: {  	_ =	shalt  }
0x5e: {  	_ =	shalt  }
0x5f: {  	_ =	shalt  }
0x60: {  	_ =	shalt  }
0x61: {  	_ =	shalt  }
0x62: {  	_ =	shalt  }
0x63: {  	_ =	shalt  }
0x64: {  	_ =	shalt  }
0x65: {  	_ =	shalt  }
0x66: {  	_ =	shalt  }
0x67: {  	_ =	shalt  }
0x68: {  	_ =	shalt  }
0x69: {  	_ =	shalt  }
0x6a: {  	_ =	shalt  }
0x6b: {  	_ =	shalt  }
0x6c: {  	_ =	shalt  }
0x6d: {  	_ =	shalt  }
0x6e: {  	_ =	shalt  }
0x6f: {  	_ =	shalt  }
0x70: {  	_ =	shalt  }
0x71: {  	_ =	shalt  }
0x72: {  	_ =	shalt  }
0x73: {  	_ =	shalt  }
0x74: {  	_ =	shalt  }
0x75: {  	_ =	shalt  }
0x76: {  	_ =	shalt  }
0x77: {  	_ =	shalt  }
0x78: {  	_ =	shalt  }
0x79: {  	_ =	shalt  }
0x7a: {  	_ =	shalt  }
0x7b: {  	_ =	shalt  }
0x7c: {  	_ =	shalt  }
0x7d: {  	_ =	shalt  }
0x7e: {  	_ =	shalt  }
0x7f: {  	_ =	shalt  }
0x80: {  	_ =	shalt  }
0x81: {  	_ =	shalt  }
0x82: {  	_ =	shalt  }
0x83: {  	_ =	shalt  }
0x84: {  	_ =	shalt  }
0x85: {  	_ =	shalt  }
0x86: {  	_ =	shalt  }
0x87: {  	_ =	shalt  }
.Lfunc_end0:
.L_simem_size_0:
called_computation_lowered:
.L_overlay_start_0:
0x88: {  	s2 =	sld [smem:$0x3FD9]  }
0x89: {  	s3 =	sld [smem:$0x3FFE];
	_ =	sdelay $0x1  }
0x8a: {  	s1 =	srdreg.scid  }
0x8b: {  	s0 =	sand.u32 $0x1, s1  }
0x8c: {  	s17 =	sshll.u32 s0, $0xA;
	s2 =	sadd.s32 s3, s2  }
0x8d: {  	s2 =	sadd.s32 s2, s17  }
0x8e: {  	[smem:$0x3FC1] =	sst s2  }
0x8f: {  	_ = 	snop  }
0x90: {  	s2 =	sld [smem:$0x3FD0];
	(tm) =	ssettm $0x1  }
0x91: {  	s18 =	sld [smem:$0x3FFB];
	_ =	sdelay $0x3  }
0x92: {  	_ =	strace s18  }
0x93: {  	s3 =	sld [smem:$0x3FFC];
	_ =	sdelay $0x3  }
0x94: {  	_ =	strace s3  }
0x95: {  	s3 =	sld [smem:$0x3FFD];
	_ =	sdelay $0x3  }
0x96: {  	_ =	strace s3  }
0x97: {  	_ =	strace $0x8FFFFFFF  }
0x98: {  	s19 =	sld [smem:$0x3FDB];
	_ =	sdelay $0x1  }
0x99: {  	s4 =	simm.s32 $_scs_section_size  }
0x9a: {  	s5 =	simm.s32 $_size__tile_overlayer_lowered;
	s6 =	simm.s32 $_tile_overlayer_lowered  }
0x9b: {  	s22 =	simm.s32 $0x1BFF;
	s21 =	sshll.u32 s6, $0x1;
	s3 =	sadd.s32 s4, s19  }
0x9c: {  	s7 =	simm.s32 $0x0;
	s20 =	sshll.u32 s5, $0x1;
	s5 =	sadd.s32 s21, s3  }
0x9d: {  	[timem:s7], [sflag:s22] =	dma.local [hbm:s5], s20  }
0x9e: {  	_ =	swait.ge [sflag:s22], s20  }
0x9f: {  	s4 =	ssub.s32 $0x0, s20;
	[sflag:s22] =	ssyncset.done $0x0  }
0xa0: {  	[sflag:s22] =	ssyncadd.s32 s4;
	_ =	sdelay $0x1  }
0xa1: {  	s23 =	simm.s32 $0x1B8B  }
0xa2: {  	_ =	swait.ge [sflag:s23], $0x1  }
0xa3: {  	[sflag:s23] =	ssyncset.done $0x0  }
0xa4: {  	s25 =	simm.s32 $0x1B8E;
	s24 =	sld [smem:$0x3FFE];
	[sflag:s23] =	ssyncadd.s32 $0xFFFFFFFF  }
0xa5: {  	s26 =	simm.s32 $execute0_lowered;
	[smem:$0x3FD2] =	sst s25  }
0xa6: {  	s5 =	sshll.u32 s26, $0x1;
	_ =	strace $0x80000046;
	[dreg:$0x1] =	wrdreg $0xFFFFFFFF  }
0xa7: {  	s28 =	simm.s32 $_size_execute0_lowered;
	s3 =	sadd.s32 s3, s5;
	[dreg:$0x0] =	wrdreg $0x0  }
0xa8: {  	s5 =	sshll.u32 s28, $0x1;
	[dreg:$0x2] =	wrdreg s3  }
0xa9: {  	[dreg:$0x3] =	wrdreg s5  }
0xaa: {  	[dreg:$0x4] =	wrdreg $0xC0  }
0xab: {  	_ =	task [dreg:s7], $0x5FFFF  }
0xac: {  	[dreg:$0x1] =	wrdreg $0xFFFFFFFF  }
0xad: {  	[dreg:$0x0] =	wrdreg $0x60  }
0xae: {  	[dreg:$0x2] =	wrdreg s2  }
0xaf: {  	[dreg:$0x3] =	wrdreg s24  }
0xb0: {  	[dreg:$0x4] =	wrdreg $0x118000  }
0xb1: {  	[dreg:$0x5] =	wrdreg $0x140000  }
0xb2: {  	[dreg:$0x6] =	wrdreg $0x9  }
0xb3: {  	_ =	task.clear_ibuf [dreg:s7], $0x7FFFF;
	_ =	strace $0x90000046  }
0xb4: {  	s29 =	simm.s32 $0x9;
	_ =	strace $0x80000048  }
0xb5: {  	_ =	swait.ge [sflag:s29], $0x1  }
0xb6: {  	[sflag:s29] =	ssyncadd.s32 $0xFFFFFFFF  }
0xb7: {  	_ =	strace $0x90000048  }
0xb8: {  	_ =	sfence  }
0xb9: {  	s30 =	sld [smem:$0x0];
	_ =	sdelay $0x2  }
0xba: {  	s31 =	sshll.u32 s1, $0xD;
	s1 =	sshrl.u32 s1, $0x2  }
0xbb: {  	s3 =	sand.u32 $0x4000, s31;
	s1 =	sadd.s32 s1, s30  }
0xbc: {  	s0 =	sor.u32 s3, s0;
	s1 =	sshll.u32 s1, $0x11  }
0xbd: {  	s0 =	sor.u32 s1, s0  }
0xbe: {  	s0 =	sadd.s32 $0x8F2B, s0  }
0xbf: {  	[sflag:s0] =	ssyncadd.remote.s32 $0x1  }
0xc0: {  	_ =	sfence.sel $0xFFFF  }
0xc1: {  	[dreg:$0x0] =	wrdreg $0xFFFFFFFF;
	(pc) =	sbr.abs _section_cstart, $3  }
0xc2: {  	[dreg:$0x1] =	wrdreg $0xFFFFFFFF  }
0xc3: {  	_ =	task.clear_ibuf [dreg:s7], $0x2FFFF;
	_ =	strace $0x9FFFFFFF  }
0xc4: {  	(tm) =	ssettm $0x7FFFFFFF  }
0xc5: {  	_ =	shalt  }
tec
execute0_lowered:
.L_overlay_start_1:
0x0: {  	(tag) =	ssettag $0x1  }
0x1: {  	s6 =	rddreg [dreg:$0x0]  }
0x2: {  	s5 =	rddreg [dreg:$0x1]  }
0x3: {  	s8 =	rddreg [dreg:$0x2]  }
0x4: {  	s1 =	rddreg [dreg:$0x3];
	s2 =	srdreg.scid;
	s3 =	simm.s32 $0x0  }
0x5: {  	s14 =	simm.s32 $0x2;
	s15 =	simm.s32 $0x4E80;
	s16 =	simm.s32 $0x80  }
0x6: {  	s17 =	simm.s32 $0x400;
	s18 =	simm.s32 $0x3;
	s19 =	simm.s32 $0x1400  }
0x7: {  	s20 =	simm.s32 $0x14000;
	s21 =	simm.s32 $0x7680;
	s4 =	sand.u32 $0x1, s2  }
0x8: {  	s22 =	simm.s32 $0x9E80;
	s2 =	stileid.u32;
	s7 =	smul.u32 $0x4E200, s4  }
0x9: {  	s23 =	simm.s32 $0xA100;
	[smem:$0x7FF] =	sst s3;
	s9 =	smul.u32 $0x4E20, s2  }
0xa: {  	_ =	strace $0x80000047;
	s24 =	ssub.s32 $0x2, s4;
	s25 =	sshrl.u32 s2, $0x3  }
0xb: {  	s4 =	sadd.s32 $0xE00, s5;
	s26 =	sshll.u32 s2, $0x7;
	s29 =	smul.u32 $0x5000, s2  }
0xc: {  	s10 =	sshrl.u32 s24, $0x1;
	s11 =	smul.u32 $0x50000, s25;
	s30 =	sand.u32 $0x380, s26  }
0xd: {  	s25 =	simm.s32 $0x0;
	s7 =	sadd.s32 s9, s7;
	s13 =	ssub.s32 s24, s10  }
0xe: {  	s31 =	sshrl.u32 s29, $0x2;
	s24 =	simm.s32 $0xC900;
	s7 =	sshrl.u32 s7, $0x3  }
0xf: {  	s28 =	sshrl.u32 s11, $0x2;
	s11 =	smax.u32 s13, $0x1;
	s13 =	simm.s32 $0x1  }
0x10: {  	s12 =	sadd.s32 s7, s5;
	s9 =	sadd.s32 s28, s8;
	s5 =	smul.u32 $0x280, s2  }
0x11: {  	s6 =	sadd.s32 s6, s7;
	s8 =	sadd.s32 s31, s8;
	s7 =	sadd.s32 s30, s9  }
0x12: {  	v0 =	vimm.s32 $0x0;
	v1 =	vimm.s32 $0x1;
	v2 =	vlaneseq.u32;
	s10 =	sadd.s32 $0x1000, s12;
	s12 =	simm.s32 $0x11780;
	s9 =	sadd.s32 s5, s1  }
.LBB2_1:
0x13: {  	[tilespmem:s3], [sflag:$0x1] =	stream.linear.gather [hbm4b:s6+s3], $0x4E20, $0x38;
	[tilespmem:$0x14280] =	vst v63  }
0x14: {  	s26 =	simm.s32 $0x4EC0  }
0x15: {  	[tilespmem:s12], [sflag:$0x2] =	stream.linear.gather [hbm4b:s4+s3], $0x80, $0x38;
	[tilespmem:$0x14280] =	vst v63  }
0x16: {  	[tilespmem:s26+$0xFFFFFFC0] =	vst v0  }
0x17: {  	[tilespmem:s26+$0x30] =	vst v0  }
0x18: {  	[tilespmem:s26+$0x20] =	vst v0  }
0x19: {  	[tilespmem:s26+$0x10] =	vst v0  }
0x1a: {  	[tilespmem:s26+$0x0] =	vst v0  }
0x1b: {  	[tilespmem:s26+$0xFFFFFFF0] =	vst v0  }
0x1c: {  	s28 =	simm.s32 $0x0;
	[tilespmem:s26+$0xFFFFFFE0] =	vst v0  }
.LBB2_2:
0x1d: {  	s28 =	sadd.s32 $0x8, s28;
	[tilespmem:s26+$0xFFFFFFD0] =	vst v0;
	s26 =	sadd.s32 $0x80, s26  }
0x1e: {  	[tilespmem:s26+$0xFFFFFFC0] =	vst v0;
	p0 =	slt.u32 s28, $0x278  }
0x1f: {  	[tilespmem:s26+$0x30] =	vst v0  }
.Ltmp0:
0x20: {  	[tilespmem:s26+$0x20] =	vst v0;
	(pc) =	sbr.rel @p0 .LBB2_2-.Ltmp0, $4  }
0x21: {  	[tilespmem:s26+$0x10] =	vst v0  }
0x22: {  	[tilespmem:s26+$0x0] =	vst v0  }
0x23: {  	[tilespmem:s26+$0xFFFFFFF0] =	vst v0  }
0x24: {  	[tilespmem:s26+$0xFFFFFFE0] =	vst v0  }
0x25: {  	[tilespmem:s26+$0xFFFFFFD0] =	vst v0  }
0x26: {  	_ =	swait.ge [sflag:s13], $0x4E20  }
0x27: {  	[sflag:s13] =	ssyncset.done $0x0  }
0x28: {  	[sflag:s13] =	ssyncadd.s32 $0xFFFFB1E0  }
0x29: {  	_ =	swait.ge [sflag:s14], $0x80  }
0x2a: {  	[sflag:s14] =	ssyncset.done $0x0  }
0x2b: {  	s26 =	simm.s32 $0x0;
	s28 =	simm.s32 $0x50;
	[sflag:s14] =	ssyncadd.s32 $0xFFFFFF80  }
.LBB2_4:
0x2c: {  	v3 =	vld [tilespmem:s28+$0xFFFFFFB0];
	_ =	sdelay $0x7  }
0x2d: {  	[tilespmem:v3+s15+$0x0] =	vst.idx.add.s32.msk $0xffff, v1  }
0x2e: {  	v3 =	vld [tilespmem:s28+$0xFFFFFFC0];
	_ =	sdelay $0x7  }
0x2f: {  	[tilespmem:v3+s15+$0x0] =	vst.idx.add.s32.msk $0xffff, v1  }
0x30: {  	v3 =	vld [tilespmem:s28+$0xFFFFFFD0];
	_ =	sdelay $0x7  }
0x31: {  	[tilespmem:v3+s15+$0x0] =	vst.idx.add.s32.msk $0xffff, v1  }
0x32: {  	v3 =	vld [tilespmem:s28+$0xFFFFFFE0];
	_ =	sdelay $0x7  }
0x33: {  	[tilespmem:v3+s15+$0x0] =	vst.idx.add.s32.msk $0xffff, v1  }
0x34: {  	v3 =	vld [tilespmem:s28+$0xFFFFFFF0];
	_ =	sdelay $0x7  }
0x35: {  	[tilespmem:v3+s15+$0x0] =	vst.idx.add.s32.msk $0xffff, v1  }
0x36: {  	v3 =	vld [tilespmem:s28+$0x0];
	_ =	sdelay $0x7  }
0x37: {  	[tilespmem:v3+s15+$0x0] =	vst.idx.add.s32.msk $0xffff, v1  }
0x38: {  	v3 =	vld [tilespmem:s28+$0x10];
	_ =	sdelay $0x7  }
0x39: {  	[tilespmem:v3+s15+$0x0] =	vst.idx.add.s32.msk $0xffff, v1  }
0x3a: {  	v3 =	vld [tilespmem:s28+$0x20];
	_ =	sdelay $0x7  }
0x3b: {  	s29 =	sand.u32 $0x7FE0, s26;
	[tilespmem:v3+s15+$0x0] =	vst.idx.add.s32.msk $0xffff, v1  }
0x3c: {  	v3 =	vld [tilespmem:s29+$0x80];
	_ =	sdelay $0x7  }
0x3d: {  	[tilespmem:v3+s15+$0x0] =	vst.idx.add.s32.msk $0xffff, v1  }
0x3e: {  	v3 =	vld [tilespmem:s28+$0x40];
	_ =	sdelay $0x2  }
0x3f: {  	p0 =	sne.s32 s26, $0x4D80  }
.Ltmp1:
0x40: {  	_ = 	snop;
	(pc) =	sbr.rel @p0 .LBB2_4-.Ltmp1, $2  }
0x41: {  	_ =	sdelay $0x2  }
0x42: {  	s26 =	sadd.s32 $0xA0, s26;
	s28 =	sadd.s32 $0xA0, s28;
	[tilespmem:v3+s15+$0x0] =	vst.idx.add.s32.msk $0xffff, v1  }
0x43: {  	[spmem:s7] =	stream.strided.scatter [tilespmem:s15], [sflag:$0x3], $0x2800, s17, s16, $0x38;
	[tilespmem:$0x14280] =	vst v63  }
0x44: {  	_ =	swait.ge [sflag:s18], $0x2800  }
0x45: {  	[sflag:s18] =	ssyncset.done $0x0  }
0x46: {  	[sflag:s18] =	ssyncadd.s32 $0xFFFFD800  }
0x47: {  	[bflag:$0x0] =	sbarrier.arrive $0xFFFF  }
0x48: {  	[tilespmem:s21], [sflag:$0x3] =	stream.strided.gather [spmem:s8], $0x2800, s20, s19, $0x38;
	[tilespmem:$0x14280] =	vst v63  }
0x49: {  	s26 =	simm.s32 $0x0;
	_ =	swait.ge [sflag:s18], $0x2800  }
0x4a: {  	s28 =	sand.u32 $0x70, s26;
	s26 =	sand.u32 $0x1C00, s26;
	[sflag:s18] =	ssyncset.done $0x0  }
0x4b: {  	s26 =	sor.u32 s28, s26;
	[sflag:s18] =	ssyncadd.s32 $0xFFFFD800  }
0x4c: {  	v3 =	vld [tilespmem:s26+$0x7700]  }
0x4d: {  	v4 =	vld [tilespmem:s26+$0x7680]  }
0x4e: {  	v5 =	vld [tilespmem:s26+$0x7780]  }
0x4f: {  	v6 =	vld [tilespmem:s26+$0x7800]  }
0x50: {  	v7 =	vld [tilespmem:s26+$0x7880]  }
0x51: {  	v8 =	vld [tilespmem:s26+$0x7900]  }
0x52: {  	v3 =	vadd.s32 v4, v3;
	v4 =	vld [tilespmem:s26+$0x7980]  }
0x53: {  	v3 =	vadd.s32 v5, v3;
	v5 =	vld [tilespmem:s26+$0x7A00]  }
0x54: {  	v58 =	vld [tilespmem:s26+$0x8A80];
	v3 =	vadd.s32 v6, v3  }
0x55: {  	v59 =	vld [tilespmem:s26+$0x8B00];
	v3 =	vadd.s32 v7, v3  }
0x56: {  	v60 =	vld [tilespmem:s26+$0x8B80];
	v3 =	vadd.s32 v8, v3  }
0x57: {  	v3 =	vadd.s32 v4, v3;
	v4 =	vld [tilespmem:s26+$0x8C00]  }
0x58: {  	v3 =	vadd.s32 v5, v3;
	v5 =	vld [tilespmem:s26+$0x8C80]  }
0x59: {  	v61 =	vld [tilespmem:s26+$0x8D00];
	v3 =	vadd.s32 v58, v3  }
0x5a: {  	v62 =	vld [tilespmem:s26+$0x8D80];
	v3 =	vadd.s32 v59, v3  }
0x5b: {  	v63 =	vld [tilespmem:s26+$0x8E00];
	v3 =	vadd.s32 v60, v3  }
0x5c: {  	v4 =	vadd.s32 v4, v3  }
0x5d: {  	v3 =	vld [tilespmem:$0x11780];
	v4 =	vadd.s32 v5, v4  }
0x5e: {  	v4 =	vadd.s32 v61, v4  }
0x5f: {  	v4 =	vadd.s32 v62, v4  }
0x60: {  	s0 =	sadd.s32 $0x0, s5;
	v4 =	vadd.s32 v63, v4  }
0x61: {  	v5 =	vor.u32 s0, v2;
	vm0 =	vlt.s32 v4, $0xFF  }
0x62: {  	s29 =	simm.s32 $0x80;
	s28 =	simm.s32 $0x10;
	vm1 =	vlt.s32 v5, v3;
	v4 =	vnsel vm0, $0xFF, v4  }
0x63: {  	s31 =	sand.u32 $0x1C00, s29;
	s30 =	sand.u32 $0x70, s28;
	s26 =	simm.s32 $0x9E80;
	v4 =	vnsel vm1, $0x0, v4  }
0x64: {  	s30 =	sor.u32 s30, s31;
	s31 =	simm.s32 $0x20;
	[tilespmem:s26+$0x0] =	vst v4  }
.LBB2_6:
0x65: {  	p0 =	sne.s32 s31, $0x270;
	v4 =	vld [tilespmem:s30+$0x7700]  }
0x66: {  	v5 =	vld [tilespmem:s30+$0x7680]  }
0x67: {  	v6 =	vld [tilespmem:s30+$0x7780]  }
0x68: {  	v7 =	vld [tilespmem:s30+$0x7800]  }
0x69: {  	v8 =	vld [tilespmem:s30+$0x7880]  }
0x6a: {  	v9 =	vld [tilespmem:s30+$0x7900]  }
0x6b: {  	v4 =	vadd.s32 v5, v4;
	v5 =	vld [tilespmem:s30+$0x7980]  }
0x6c: {  	v4 =	vadd.s32 v6, v4;
	v6 =	vld [tilespmem:s30+$0x7A00]  }
0x6d: {  	v4 =	vadd.s32 v7, v4;
	v7 =	vld [tilespmem:s30+$0x8A80]  }
0x6e: {  	v4 =	vadd.s32 v8, v4;
	v8 =	vld [tilespmem:s30+$0x8B00]  }
0x6f: {  	v4 =	vadd.s32 v9, v4;
	v9 =	vld [tilespmem:s30+$0x8B80]  }
0x70: {  	v4 =	vadd.s32 v5, v4;
	v5 =	vld [tilespmem:s30+$0x8C00]  }
0x71: {  	v4 =	vadd.s32 v6, v4;
	v6 =	vld [tilespmem:s30+$0x8C80]  }
0x72: {  	v4 =	vadd.s32 v7, v4;
	v7 =	vld [tilespmem:s30+$0x8D00]  }
0x73: {  	v4 =	vadd.s32 v8, v4;
	v8 =	vld [tilespmem:s30+$0x8D80]  }
0x74: {  	v4 =	vadd.s32 v9, v4;
	v9 =	vld [tilespmem:s30+$0x8E00]  }
0x75: {  	v4 =	vadd.s32 v5, v4  }
0x76: {  	v4 =	vadd.s32 v6, v4  }
0x77: {  	v4 =	vadd.s32 v7, v4  }
0x78: {  	v4 =	vadd.s32 v8, v4  }
.Ltmp2:
0x79: {  	s30 =	sadd.s32 s28, s5;
	s28 =	smov.u32 s31;
	v4 =	vadd.s32 v9, v4;
	(pc) =	sbr.rel @p0 .LBB2_6-.Ltmp2, $4  }
0x7a: {  	v5 =	vor.u32 s30, v2;
	vm0 =	vlt.s32 v4, $0xFF  }
0x7b: {  	s29 =	sadd.s32 $0x80, s29;
	vm1 =	vlt.s32 v5, v3;
	v4 =	vnsel vm0, $0xFF, v4  }
0x7c: {  	s26 =	sadd.s32 $0x10, s26;
	s0 =	sand.u32 $0x1C00, s29;
	s30 =	sand.u32 $0x70, s31;
	v4 =	vnsel vm1, $0x0, v4  }
0x7d: {  	s31 =	sadd.s32 $0x10, s31;
	s30 =	sor.u32 s30, s0;
	[tilespmem:s26+$0x0] =	vst v4  }
0x7e: {  	v4 =	vld [tilespmem:s30+$0x7700]  }
0x7f: {  	v5 =	vld [tilespmem:s30+$0x7680]  }
0x80: {  	v6 =	vld [tilespmem:s30+$0x7780]  }
0x81: {  	v7 =	vld [tilespmem:s30+$0x7800]  }
0x82: {  	v8 =	vld [tilespmem:s30+$0x7880]  }
0x83: {  	v9 =	vld [tilespmem:s30+$0x7900]  }
0x84: {  	v4 =	vadd.s32 v5, v4;
	v5 =	vld [tilespmem:s30+$0x7980]  }
0x85: {  	v4 =	vadd.s32 v6, v4;
	v6 =	vld [tilespmem:s30+$0x7A00]  }
0x86: {  	v4 =	vadd.s32 v7, v4;
	v7 =	vld [tilespmem:s30+$0x8A80]  }
0x87: {  	v4 =	vadd.s32 v8, v4;
	v8 =	vld [tilespmem:s30+$0x8B00]  }
0x88: {  	v4 =	vadd.s32 v9, v4;
	v9 =	vld [tilespmem:s30+$0x8B80]  }
0x89: {  	v4 =	vadd.s32 v5, v4;
	v5 =	vld [tilespmem:s30+$0x8C00]  }
0x8a: {  	v4 =	vadd.s32 v6, v4;
	v6 =	vld [tilespmem:s30+$0x8C80]  }
0x8b: {  	v4 =	vadd.s32 v7, v4;
	v7 =	vld [tilespmem:s30+$0x8D00]  }
0x8c: {  	v4 =	vadd.s32 v8, v4;
	v8 =	vld [tilespmem:s30+$0x8D80]  }
0x8d: {  	v4 =	vadd.s32 v9, v4;
	v9 =	vld [tilespmem:s30+$0x8E00]  }
0x8e: {  	v4 =	vadd.s32 v5, v4  }
0x8f: {  	v4 =	vadd.s32 v6, v4  }
0x90: {  	v4 =	vadd.s32 v7, v4  }
0x91: {  	v4 =	vadd.s32 v8, v4  }
0x92: {  	s0 =	sadd.s32 s28, s5;
	v4 =	vadd.s32 v9, v4  }
0x93: {  	v5 =	vor.u32 s0, v2;
	vm0 =	vlt.s32 v4, $0xFF  }
0x94: {  	vm1 =	vlt.s32 v5, v3;
	v3 =	vnsel vm0, $0xFF, v4  }
0x95: {  	s26 =	sadd.s32 $0x10, s26;
	v3 =	vnsel vm1, $0x0, v3  }
0x96: {  	[tilespmem:s26+$0x0] =	vst v3  }
0x97: {  	[spmem:s9] =	stream.linear.scatter [tilespmem:s22], [sflag:$0x3], $0x280, $0x38;
	[tilespmem:$0x14280] =	vst v63  }
0x98: {  	_ =	swait.ge [sflag:s18], $0x280  }
0x99: {  	[sflag:s18] =	ssyncset.done $0x0  }
0x9a: {  	[sflag:s18] =	ssyncadd.s32 $0xFFFFFD80  }
0x9b: {  	[bflag:$0x0] =	sbarrier.arrive $0xFFFF  }
0x9c: {  	[tilespmem:s23], [sflag:$0x3] =	stream.linear.gather [spmem:s1], $0x2800, $0x38;
	[tilespmem:$0x14280] =	vst v63  }
0x9d: {  	_ =	swait.ge [sflag:s18], $0x2800  }
0x9e: {  	[sflag:s18] =	ssyncset.done $0x0  }
0x9f: {  	s31 =	simm.s32 $0x0;
	s0 =	simm.s32 $0x50;
	[sflag:s18] =	ssyncadd.s32 $0xFFFFD800  }
0xa0: {  	s28 =	sand.u32 $0x7FE0, s31;
	v3 =	vld [tilespmem:s0+$0x40]  }
0xa1: {  	v4 =	vld [tilespmem:s28+$0x80]  }
0xa2: {  	v5 =	vld [tilespmem:s0+$0xFFFFFFC0]  }
0xa3: {  	v6 =	vld [tilespmem:s0+$0xFFFFFFD0]  }
0xa4: {  	v7 =	vld [tilespmem:s0+$0xFFFFFFE0]  }
0xa5: {  	v8 =	vld [tilespmem:s0+$0xFFFFFFF0]  }
0xa6: {  	v9 =	vld [tilespmem:s0+$0x0]  }
0xa7: {  	v10 =	vld [tilespmem:s0+$0x10]  }
0xa8: {  	v13 =	vld [tilespmem:s0+$0x20]  }
0xa9: {  	v14 =	vld [tilespmem:s0+$0xFFFFFFB0]  }
0xaa: {  	v11 =	vld.idx.msk [tilespmem:v3+s23+$0x0], $0xffff  }
0xab: {  	v12 =	vld.idx.msk [tilespmem:v4+s23+$0x0], $0xffff  }
0xac: {  	v15 =	vld.idx.msk [tilespmem:v5+s23+$0x0], $0xffff  }
0xad: {  	v16 =	vld.idx.msk [tilespmem:v6+s23+$0x0], $0xffff  }
0xae: {  	v3 =	vld.idx.msk [tilespmem:v7+s23+$0x0], $0xffff  }
0xaf: {  	s26 =	simm.s32 $0xC950;
	v4 =	vld.idx.msk [tilespmem:v8+s23+$0x0], $0xffff  }
0xb0: {  	v5 =	vld.idx.msk [tilespmem:v9+s23+$0x0], $0xffff;
	[tilespmem:s26+$0x40] =	vst v11  }
0xb1: {  	v6 =	vld.idx.msk [tilespmem:v10+s23+$0x0], $0xffff;
	[tilespmem:s28+$0xC980] =	vst v12  }
0xb2: {  	v7 =	vld.idx.msk [tilespmem:v13+s23+$0x0], $0xffff;
	[tilespmem:s26+$0xFFFFFFC0] =	vst v15  }
0xb3: {  	s29 =	simm.s32 $0xF0;
	s30 =	simm.s32 $0xA0;
	v8 =	vld.idx.msk [tilespmem:v14+s23+$0x0], $0xffff;
	s28 =	simm.s32 $0x0;
	[tilespmem:s26+$0xFFFFFFD0] =	vst v16  }
.LBB2_8:
0xb4: {  	s0 =	sand.u32 $0x7FE0, s30;
	v9 =	vld [tilespmem:s29+$0x40];
	s28 =	sadd.s32 $0xA, s28;
	[tilespmem:s26+$0xFFFFFFE0] =	vst v3  }
0xb5: {  	v3 =	vld [tilespmem:s0+$0x80];
	p0 =	slt.u32 s28, $0x4D8;
	[tilespmem:s26+$0xFFFFFFF0] =	vst v4  }
0xb6: {  	v4 =	vld [tilespmem:s29+$0xFFFFFFC0];
	[tilespmem:s26+$0x0] =	vst v5  }
0xb7: {  	v5 =	vld [tilespmem:s29+$0xFFFFFFD0];
	[tilespmem:s26+$0x10] =	vst v6  }
0xb8: {  	v6 =	vld [tilespmem:s29+$0xFFFFFFE0];
	[tilespmem:s26+$0x20] =	vst v7  }
0xb9: {  	v7 =	vld [tilespmem:s29+$0xFFFFFFF0];
	[tilespmem:s26+$0xFFFFFFB0] =	vst v8  }
0xba: {  	v8 =	vld [tilespmem:s29+$0x0]  }
0xbb: {  	v10 =	vld [tilespmem:s29+$0x10]  }
0xbc: {  	v9 =	vld.idx.msk [tilespmem:v9+s23+$0x0], $0xffff  }
0xbd: {  	v11 =	vld.idx.msk [tilespmem:v3+s23+$0x0], $0xffff  }
0xbe: {  	v12 =	vld [tilespmem:s29+$0x20]  }
0xbf: {  	v13 =	vld [tilespmem:s29+$0xFFFFFFB0]  }
0xc0: {  	v14 =	vld.idx.msk [tilespmem:v4+s23+$0x0], $0xffff  }
0xc1: {  	s26 =	sadd.s32 $0xA0, s26;
	v15 =	vld.idx.msk [tilespmem:v5+s23+$0x0], $0xffff  }
0xc2: {  	v3 =	vld.idx.msk [tilespmem:v6+s23+$0x0], $0xffff;
	[tilespmem:s26+$0x40] =	vst v9  }
.Ltmp3:
0xc3: {  	v4 =	vld.idx.msk [tilespmem:v7+s23+$0x0], $0xffff;
	[tilespmem:s0+$0xC980] =	vst v11;
	(pc) =	sbr.rel @p0 .LBB2_8-.Ltmp3, $4  }
0xc4: {  	v5 =	vld.idx.msk [tilespmem:v8+s23+$0x0], $0xffff  }
0xc5: {  	v6 =	vld.idx.msk [tilespmem:v10+s23+$0x0], $0xffff  }
0xc6: {  	[tilespmem:s26+$0xFFFFFFC0] =	vst v14;
	v7 =	vld.idx.msk [tilespmem:v12+s23+$0x0], $0xffff  }
0xc7: {  	s30 =	sadd.s32 $0xA0, s30;
	s29 =	sadd.s32 $0xA0, s29;
	v8 =	vld.idx.msk [tilespmem:v13+s23+$0x0], $0xffff;
	[tilespmem:s26+$0xFFFFFFD0] =	vst v15  }
0xc8: {  	[tilespmem:s26+$0xFFFFFFE0] =	vst v3  }
0xc9: {  	[tilespmem:s26+$0xFFFFFFF0] =	vst v4  }
0xca: {  	[tilespmem:s26+$0x0] =	vst v5  }
0xcb: {  	s25 =	sadd.s32 $0x1, s25;
	[tilespmem:s26+$0x10] =	vst v6  }
0xcc: {  	p0 =	sne.s32 s25, s11;
	[tilespmem:s26+$0x20] =	vst v7  }
.Ltmp4:
0xcd: {  	[tilespmem:s26+$0xFFFFFFB0] =	vst v8;
	(pc) =	sbr.rel @p0 .LBB2_1-.Ltmp4, $4  }
0xce: {  	[hbm4b:s10+s3] =	stream.linear.scatter [tilespmem:s24], [sflag:$0x3], $0x4E20, $0x38;
	[tilespmem:$0x14280] =	vst v63  }
0xcf: {  	_ =	swait.ge [sflag:s18], $0x4E20  }
0xd0: {  	[sflag:s18] =	ssyncset.done $0x0  }
0xd1: {  	[sflag:s18] =	ssyncadd.s32 $0xFFFFB1E0  }
0xd2: {  	_ =	sfence.sel $0x180000  }
0xd3: {  	[bflag:$0x0] =	sbarrier.arrive $0xFFFF  }
0xd4: {  	_ =	strace $0x90000047  }
0xd5: {  	[bflag:$0x2] =	sbarrier.arrive $0xFFFF  }
0xd6: {  	p0 =	sne.s32 s2, $0x0;
	s0 =	rddreg [dreg:$0x4]  }
0xd7: {  	s0 =	sadd.s32 @!p0 $0x100000, s0  }
0xd8: {  	[sflag:s0] =	ssyncadd.tile.s32 @!p0 $0x1;
	_ =	shalt  }
.Lfunc_end2:
_tile_overlayer_lowered:
.L_overlay_start_2:
0xd9: {  	(tag) =	ssettag $0x2  }
0xda: {  	s0 =	rddreg [dreg:$0x0];
	s2 =	stileid.u32  }
0xdb: {  	s1 =	rddreg [dreg:$0x1];
	p0 =	sne.s32 s2, $0x0  }
0xdc: {  	s3 =	rddreg [dreg:$0x2];
	[bflag:$0x3] =	sbarrier.arrive $0xFFFF;
	s2 =	simm.s32 @!p0 $0x1C03  }
0xdd: {  	[timem:s3], [sflag:s2] =	dma.local @!p0 [hbm:s0], s1  }
0xde: {  	s0 =	simm.s32 @!p0 $0x3  }
0xdf: {  	_ =	swait.ge @!p0 [sflag:s0], s1  }
0xe0: {  	s1 =	ssub.s32 @!p0 $0x0, s1;
	[sflag:s0] =	ssyncset.done @!p0 $0x0  }
0xe1: {  	[sflag:s0] =	ssyncadd.s32 @!p0 s1  }
0xe2: {  	[bflag:$0x3] =	sbarrier.arrive $0xFFFF  }
0xe3: {  	_ =	shalt  }

</sc_bundles>
